<compile_context>
chip_gen: v7x
topology: tpu7x:2x2x1
jax: 0.10.2.dev20260603
libtpu: 0.0.44.dev20260713+nightly
codegen_flags: <defaults>
</compile_context>

<pallas_src>
import functools

import jax
import jax.numpy as jnp
from jax import lax
from jax.experimental import pallas as pl
from jax.experimental.pallas import tpu as pltpu
from jax.experimental.pallas import tpu_sc as plsc

N = 10000
D = 128
H = 128

NC = 2
NS = 16
NW = NC * NS

CH = 128
UP_CPW = 80
B_CPW = 8

NPAD = 10240
ROWS_PER_TILE = NPAD // NS
ZROWS = 16
IDX_STAGE = 40


def _sc_segment_sums(xpad, battr_pad, up_src, up_dst, b_src, b_dst):
    mesh = plsc.VectorSubcoreMesh(
        core_axis_name="c", subcore_axis_name="s",
        num_cores=NC, num_subcores=NS)

    @functools.partial(
        pl.kernel,
        out_type=jax.ShapeDtypeStruct((2 * NC, NPAD, D), jnp.float32),
        mesh=mesh,
        scratch_types=[
            pltpu.VMEM_SHARED((NPAD, D), jnp.float32),
            pltpu.VMEM((IDX_STAGE, CH), jnp.int32),
            pltpu.VMEM((IDX_STAGE, CH), jnp.int32),
            pltpu.VMEM((CH, D), jnp.float32),
            pltpu.VMEM((CH, D), jnp.float32),
            pltpu.VMEM((ZROWS, D), jnp.float32),
            pltpu.SemaphoreType.DMA,
            pltpu.SemaphoreType.DMA,
            pltpu.SemaphoreType.DMA,
        ],
    )
    def k(xpad_hbm, battr_hbm, up_src_hbm, up_dst_hbm, b_src_hbm, b_dst_hbm,
          out_hbm, acc, src_idx, dst_idx, rows0, rows1, zbuf, sem0, sem1,
          zsem):
        c = lax.axis_index("c")
        s = lax.axis_index("s")
        w = c * NS + s
        row0 = s * ROWS_PER_TILE

        def zrow(r, carry):
            for cc in range(D // 16):
                zbuf[r, pl.ds(cc * 16, 16)] = jnp.zeros((16,), jnp.float32)
            return carry
        lax.fori_loop(0, ZROWS, zrow, 0)

        def zero_acc():
            nz = ROWS_PER_TILE // ZROWS

            def zissue(kk, carry):
                pltpu.async_copy(
                    zbuf, acc.at[pl.ds(row0 + kk * ZROWS, ZROWS)], zsem)
                return carry
            lax.fori_loop(0, nz, zissue, 0)

            def zdrain(kk, carry):
                pltpu.make_async_copy(
                    zbuf, acc.at[pl.ds(row0 + kk * ZROWS, ZROWS)], zsem).wait()
                return carry
            lax.fori_loop(0, nz, zdrain, 0)

        bufs = (rows0, rows1)
        sems = (sem0, sem1)

        def run_phase(table_hbm, src_hbm, dst_hbm, cpw):
            nstages = (cpw + IDX_STAGE - 1) // IDX_STAGE
            for st in range(nstages):
                sc = min(IDX_STAGE, cpw - st * IDX_STAGE)
                base = w * cpw + st * IDX_STAGE
                pltpu.sync_copy(src_hbm.at[pl.ds(base, sc)],
                                src_idx.at[pl.ds(0, sc)])
                pltpu.sync_copy(dst_hbm.at[pl.ds(base, sc)],
                                dst_idx.at[pl.ds(0, sc)])
                pltpu.async_copy(table_hbm.at[src_idx.at[0]], rows0, sem0)
                pltpu.async_copy(table_hbm.at[src_idx.at[1]], rows1, sem1)
                npairs = sc // 2

                def body(t, carry):
                    for b in range(2):
                        j = 2 * t + b
                        pltpu.make_async_copy(
                            table_hbm.at[src_idx.at[j]], bufs[b],
                            sems[b]).wait()
                        pltpu.sync_copy(bufs[b], acc.at[dst_idx.at[j]],
                                        add=True)

                        @pl.when(t < npairs - 1)
                        def _():
                            pltpu.async_copy(
                                table_hbm.at[src_idx.at[j + 2]], bufs[b],
                                sems[b])
                    return carry
                lax.fori_loop(0, npairs, body, 0)

        def writeback(slot):
            pltpu.sync_copy(acc.at[pl.ds(row0, ROWS_PER_TILE)],
                            out_hbm.at[slot, pl.ds(row0, ROWS_PER_TILE)])

        zero_acc()
        plsc.subcore_barrier()
        run_phase(xpad_hbm, up_src_hbm, up_dst_hbm, UP_CPW)
        plsc.subcore_barrier()
        writeback(c)
        zero_acc()
        plsc.subcore_barrier()
        run_phase(battr_hbm, b_src_hbm, b_dst_hbm, B_CPW)
        plsc.subcore_barrier()
        writeback(NC + c)

    return k(xpad, battr_pad, up_src, up_dst, b_src, b_dst)


def _bn_relu(h, gamma, beta):
    m = jnp.mean(h, axis=0, keepdims=True)
    v = jnp.mean((h - m) ** 2, axis=0, keepdims=True)
    return jnp.maximum(gamma * (h - m) / jnp.sqrt(v + 1e-5) + beta, 0.0)


def _dense_body(x_ref, parts_ref,
                W1u_ref, b1u_ref, g1u_ref, be1u_ref,
                W2u_ref, b2u_ref, g2u_ref, be2u_ref,
                W1b_ref, b1b_ref, g1b_ref, be1b_ref,
                W2b_ref, b2b_ref, g2b_ref, be2b_ref,
                Wcu_ref, Wcb_ref, bc_ref, gc_ref, bec_ref, eps_ref, o_ref):
    xv = x_ref[...]
    scale = 1.0 + eps_ref[0, 0]
    agg_up = parts_ref[0, :N] + parts_ref[1, :N]
    agg_b = parts_ref[2, :N] + parts_ref[3, :N]

    def mlp(h, W1, b1, g1, be1, W2, b2, g2, be2):
        h = _bn_relu(jnp.dot(h, W1, preferred_element_type=jnp.float32) + b1,
                     g1, be1)
        h = _bn_relu(jnp.dot(h, W2, preferred_element_type=jnp.float32) + b2,
                     g2, be2)
        return h

    out_up = mlp(agg_up + scale * xv,
                 W1u_ref[...], b1u_ref[...], g1u_ref[...], be1u_ref[...],
                 W2u_ref[...], b2u_ref[...], g2u_ref[...], be2u_ref[...])
    out_b = mlp(agg_b + scale * xv,
                W1b_ref[...], b1b_ref[...], g1b_ref[...], be1b_ref[...],
                W2b_ref[...], b2b_ref[...], g2b_ref[...], be2b_ref[...])
    catw = (jnp.dot(out_up, Wcu_ref[...], preferred_element_type=jnp.float32)
            + jnp.dot(out_b, Wcb_ref[...], preferred_element_type=jnp.float32)
            + bc_ref[...])
    o_ref[...] = _bn_relu(catw, gc_ref[...], bec_ref[...])


def _pad_idx(idx, total, srcs=False):
    pad = total - idx.shape[0]
    ar = jnp.arange(pad, dtype=jnp.int32)
    if srcs:
        tail = ar % N
    else:
        tail = N + ar % (NPAD - N)
    idx = jnp.concatenate([idx, tail])
    return idx.reshape(-1, CH)


def kernel(x, up_index, up_attr, boundary_attr, boundary_index,
           W1u, b1u, g1u, be1u, W2u, b2u, g2u, be2u,
           W1b, b1b, g1b, be1b, W2b, b2b, g2b, be2b,
           Wc, bc, gc, bec, eps1):
    up_src = _pad_idx(up_index[0], UP_CPW * NW * CH, srcs=True)
    up_dst = _pad_idx(up_index[1], UP_CPW * NW * CH)
    b_src = _pad_idx(boundary_index[0], B_CPW * NW * CH, srcs=True)
    b_dst = _pad_idx(boundary_index[1], B_CPW * NW * CH)

    parts = _sc_segment_sums(x, boundary_attr, up_src, up_dst, b_src, b_dst)

    row = lambda a: a.reshape(1, -1)
    return pl.pallas_call(
        _dense_body,
        out_shape=jax.ShapeDtypeStruct((N, H), jnp.float32),
        compiler_params=pltpu.CompilerParams(
            vmem_limit_bytes=120 * 1024 * 1024),
    )(x, parts,
      W1u, row(b1u), row(g1u), row(be1u),
      W2u, row(b2u), row(g2u), row(be2u),
      W1b, row(b1b), row(g1b), row(be1b),
      W2b, row(b2b), row(g2b), row(be2b),
      Wc[:H], Wc[H:], row(bc), row(gc), row(bec),
      eps1.reshape(1, 1))

# --- scband reference (transcript-rebuilt; emitter-appended) ---
"""Pipeline reference for scband-sparse-cinconv-89163521065166 (READ-ONLY COPY).

The authoritative reference and input builder live on the scoring server;
editing this copy changes nothing except your own understanding.
"""

import jax, jax.numpy as jnp
import numpy as np

N = 10000
E_UP = 320000
E_B = 20000
D = 128
H = 128


def _bn(h, gamma, beta, eps=1e-5):
    m = jnp.mean(h, axis=0, keepdims=True)
    v = jnp.mean((h - m) ** 2, axis=0, keepdims=True)
    return gamma * (h - m) / jnp.sqrt(v + eps) + beta


def _update_nn(h, W1, b1, g1, be1, W2, b2, g2, be2):
    h = jax.nn.relu(_bn(h @ W1 + b1, g1, be1))
    h = jax.nn.relu(_bn(h @ W2 + b2, g2, be2))
    return h


def setup_inputs(seed: int = 0):
    key = jax.random.key(seed)
    ks = jax.random.split(key, 16)
    inp = {}
    inp['x'] = jax.random.normal(ks[0], (N, D), dtype=jnp.float32)
    inp['up_index'] = jax.random.randint(ks[1], (2, E_UP), 0, N, dtype=jnp.int32)
    inp['up_attr'] = jax.random.normal(ks[2], (E_UP, D), dtype=jnp.float32)
    inp['boundary_attr'] = jax.random.normal(ks[3], (N, D), dtype=jnp.float32)
    inp['boundary_index'] = jax.random.randint(ks[4], (2, E_B), 0, N, dtype=jnp.int32)

    def lin(k, fan_in, shape):
        return jax.random.normal(k, shape, dtype=jnp.float32) / np.sqrt(fan_in)

    i = 5
    for n in ['u', 'b']:
        inp['W1' + n] = lin(ks[i], D, (D, H)); i += 1
        inp['b1' + n] = jnp.zeros((H,), dtype=jnp.float32)
        inp['g1' + n] = jnp.ones((H,), dtype=jnp.float32)
        inp['be1' + n] = jnp.zeros((H,), dtype=jnp.float32)
        inp['W2' + n] = lin(ks[i], H, (H, H)); i += 1
        inp['b2' + n] = jnp.zeros((H,), dtype=jnp.float32)
        inp['g2' + n] = jnp.ones((H,), dtype=jnp.float32)
        inp['be2' + n] = jnp.zeros((H,), dtype=jnp.float32)
    inp['Wc'] = lin(ks[i], 2 * H, (2 * H, H)); i += 1
    inp['bc'] = jnp.zeros((H,), dtype=jnp.float32)
    inp['gc'] = jnp.ones((H,), dtype=jnp.float32)
    inp['bec'] = jnp.zeros((H,), dtype=jnp.float32)
    inp['eps1'] = jnp.zeros((1,), dtype=jnp.float32)
    return inp


def reference(x, up_index, up_attr, boundary_attr, boundary_index,
              W1u, b1u, g1u, be1u, W2u, b2u, g2u, be2u,
              W1b, b1b, g1b, be1b, W2b, b2b, g2b, be2b,
              Wc, bc, gc, bec, eps1):
    n = x.shape[0]
    # msg_up_nn with use_coboundaries=False is identity on x_j (up_attr ignored)
    msg_up = x[up_index[0]]
    agg_up = jax.ops.segment_sum(msg_up, up_index[1], num_segments=n)
    # msg_boundaries_nn is identity on boundary_attr
    msg_b = boundary_attr[boundary_index[0]]
    agg_b = jax.ops.segment_sum(msg_b, boundary_index[1], num_segments=n)
    out_up = _update_nn(agg_up + (1.0 + eps1) * x, W1u, b1u, g1u, be1u, W2u, b2u, g2u, be2u)
    out_b = _update_nn(agg_b + (1.0 + eps1) * x, W1b, b1b, g1b, be1b, W2b, b2b, g2b, be2b)
    cat = jnp.concatenate([out_up, out_b], axis=-1)
    return jax.nn.relu(_bn(cat @ Wc + bc, gc, bec))

if __name__ == "__main__":
    import jax
    _d = setup_inputs()
    print(jax.jit(kernel)(*tuple(_d.values())))

</pallas_src>

<mosaic_0001>
#map = affine_map<(d0, d1) -> (0, 0)>
#map1 = affine_map<(d0, d1) -> (0, 0, 0)>
module attributes {stable_mosaic.version = 14 : i64} {
  func.func @k(%arg0: i32, %arg1: i32, %arg2: memref<10000x128xf32, #tpu.memory_space<hbm>>, %arg3: memref<10000x128xf32, #tpu.memory_space<hbm>>, %arg4: memref<2560x128xi32, #tpu.memory_space<hbm>>, %arg5: memref<2560x128xi32, #tpu.memory_space<hbm>>, %arg6: memref<256x128xi32, #tpu.memory_space<hbm>>, %arg7: memref<256x128xi32, #tpu.memory_space<hbm>>, %arg8: memref<4x10240x128xf32, #tpu.memory_space<hbm>>, %arg9: memref<10240x128xf32, #tpu.memory_space<vmem_shared>>, %arg10: memref<40x128xi32, #tpu.memory_space<vmem>>, %arg11: memref<40x128xi32, #tpu.memory_space<vmem>>, %arg12: memref<128x128xf32, #tpu.memory_space<vmem>>, %arg13: memref<128x128xf32, #tpu.memory_space<vmem>>, %arg14: memref<16x128xf32, #tpu.memory_space<vmem>>, %arg15: memref<!tpu.dma_semaphore, #tpu.memory_space<semaphore_mem>>, %arg16: memref<!tpu.dma_semaphore, #tpu.memory_space<semaphore_mem>>, %arg17: memref<!tpu.dma_semaphore, #tpu.memory_space<semaphore_mem>>) attributes {dimension_semantics = [#tpu.dimension_semantics<core_parallel>, #tpu.dimension_semantics<subcore_parallel>], iteration_bounds = array<i64: 2, 16>, scalar_prefetch = 0 : i64, scratch_operands = 9 : i64, tpu.core_type = #tpu.core_type<sc_vector_subcore>, window_params = [{transform_indices = #map}, {transform_indices = #map}, {transform_indices = #map}, {transform_indices = #map}, {transform_indices = #map}, {transform_indices = #map}, {transform_indices = #map1}]} {
    %mul3A = arith.constant 16 : i32
    %mul3A_0 = arith.muli %arg0, %mul3A : i32
    %add3A = arith.addi %mul3A_0, %arg1 : i32
    %mul3A_1 = arith.constant 640 : i32
    %mul3A_2 = arith.muli %arg1, %mul3A_1 : i32
    %scan3A = arith.constant 0 : i32
    %scan3A_3 = arith.constant 0 : i32
    %scan3A_4 = arith.constant 16 : i32
    %scan3A_5 = arith.addi %scan3A_3, %scan3A_4 : i32
    %scan3A_6 = arith.constant 1 : i32
    scf.for %scan3A_108 = %scan3A_3 to %scan3A_5 step %scan3A_6  : i32 {
      %broadcast_in_dim3A = arith.constant 0.000000e+00 : f32
      %broadcast_in_dim3A_109 = vector.broadcast %broadcast_in_dim3A : f32 to vector<16xf32>
      %swap3A = arith.index_cast %scan3A_108 : i32 to index
      %swap3A_110 = arith.constant 0 : index
      %swap3A_111 = tpu.vector_load %arg14[%swap3A, %swap3A_110] {strides = array<i32>} : memref<16x128xf32, #tpu.memory_space<vmem>>, vector<1x16xf32>,
      %swap3A_112 = vector.shape_cast %swap3A_111 : vector<1x16xf32> to vector<16xf32>
      %swap3A_113 = vector.shape_cast %broadcast_in_dim3A_109 : vector<16xf32> to vector<1x16xf32>
      tpu.vector_store %arg14[%swap3A, %swap3A_110], %swap3A_113 {strides = array<i32>} : memref<16x128xf32, #tpu.memory_space<vmem>>, vector<1x16xf32>,
      %broadcast_in_dim3A_114 = arith.constant 0.000000e+00 : f32
      %broadcast_in_dim3A_115 = vector.broadcast %broadcast_in_dim3A_114 : f32 to vector<16xf32>
      %swap3A_116 = arith.index_cast %scan3A_108 : i32 to index
      %swap3A_117 = arith.constant 16 : index
      %swap3A_118 = tpu.vector_load %arg14[%swap3A_116, %swap3A_117] {strides = array<i32>} : memref<16x128xf32, #tpu.memory_space<vmem>>, vector<1x16xf32>,
      %swap3A_119 = vector.shape_cast %swap3A_118 : vector<1x16xf32> to vector<16xf32>
      %swap3A_120 = vector.shape_cast %broadcast_in_dim3A_115 : vector<16xf32> to vector<1x16xf32>
      tpu.vector_store %arg14[%swap3A_116, %swap3A_117], %swap3A_120 {strides = array<i32>} : memref<16x128xf32, #tpu.memory_space<vmem>>, vector<1x16xf32>,
      %broadcast_in_dim3A_121 = arith.constant 0.000000e+00 : f32
      %broadcast_in_dim3A_122 = vector.broadcast %broadcast_in_dim3A_121 : f32 to vector<16xf32>
      %swap3A_123 = arith.index_cast %scan3A_108 : i32 to index
      %swap3A_124 = arith.constant 32 : index
      %swap3A_125 = tpu.vector_load %arg14[%swap3A_123, %swap3A_124] {strides = array<i32>} : memref<16x128xf32, #tpu.memory_space<vmem>>, vector<1x16xf32>,
      %swap3A_126 = vector.shape_cast %swap3A_125 : vector<1x16xf32> to vector<16xf32>
      %swap3A_127 = vector.shape_cast %broadcast_in_dim3A_122 : vector<16xf32> to vector<1x16xf32>
      tpu.vector_store %arg14[%swap3A_123, %swap3A_124], %swap3A_127 {strides = array<i32>} : memref<16x128xf32, #tpu.memory_space<vmem>>, vector<1x16xf32>,
      %broadcast_in_dim3A_128 = arith.constant 0.000000e+00 : f32
      %broadcast_in_dim3A_129 = vector.broadcast %broadcast_in_dim3A_128 : f32 to vector<16xf32>
      %swap3A_130 = arith.index_cast %scan3A_108 : i32 to index
      %swap3A_131 = arith.constant 48 : index
      %swap3A_132 = tpu.vector_load %arg14[%swap3A_130, %swap3A_131] {strides = array<i32>} : memref<16x128xf32, #tpu.memory_space<vmem>>, vector<1x16xf32>,
      %swap3A_133 = vector.shape_cast %swap3A_132 : vector<1x16xf32> to vector<16xf32>
      %swap3A_134 = vector.shape_cast %broadcast_in_dim3A_129 : vector<16xf32> to vector<1x16xf32>
      tpu.vector_store %arg14[%swap3A_130, %swap3A_131], %swap3A_134 {strides = array<i32>} : memref<16x128xf32, #tpu.memory_space<vmem>>, vector<1x16xf32>,
      %broadcast_in_dim3A_135 = arith.constant 0.000000e+00 : f32
      %broadcast_in_dim3A_136 = vector.broadcast %broadcast_in_dim3A_135 : f32 to vector<16xf32>
      %swap3A_137 = arith.index_cast %scan3A_108 : i32 to index
      %swap3A_138 = arith.constant 64 : index
      %swap3A_139 = tpu.vector_load %arg14[%swap3A_137, %swap3A_138] {strides = array<i32>} : memref<16x128xf32, #tpu.memory_space<vmem>>, vector<1x16xf32>,
      %swap3A_140 = vector.shape_cast %swap3A_139 : vector<1x16xf32> to vector<16xf32>
      %swap3A_141 = vector.shape_cast %broadcast_in_dim3A_136 : vector<16xf32> to vector<1x16xf32>
      tpu.vector_store %arg14[%swap3A_137, %swap3A_138], %swap3A_141 {strides = array<i32>} : memref<16x128xf32, #tpu.memory_space<vmem>>, vector<1x16xf32>,
      %broadcast_in_dim3A_142 = arith.constant 0.000000e+00 : f32
      %broadcast_in_dim3A_143 = vector.broadcast %broadcast_in_dim3A_142 : f32 to vector<16xf32>
      %swap3A_144 = arith.index_cast %scan3A_108 : i32 to index
      %swap3A_145 = arith.constant 80 : index
      %swap3A_146 = tpu.vector_load %arg14[%swap3A_144, %swap3A_145] {strides = array<i32>} : memref<16x128xf32, #tpu.memory_space<vmem>>, vector<1x16xf32>,
      %swap3A_147 = vector.shape_cast %swap3A_146 : vector<1x16xf32> to vector<16xf32>
      %swap3A_148 = vector.shape_cast %broadcast_in_dim3A_143 : vector<16xf32> to vector<1x16xf32>
      tpu.vector_store %arg14[%swap3A_144, %swap3A_145], %swap3A_148 {strides = array<i32>} : memref<16x128xf32, #tpu.memory_space<vmem>>, vector<1x16xf32>,
      %broadcast_in_dim3A_149 = arith.constant 0.000000e+00 : f32
      %broadcast_in_dim3A_150 = vector.broadcast %broadcast_in_dim3A_149 : f32 to vector<16xf32>
      %swap3A_151 = arith.index_cast %scan3A_108 : i32 to index
      %swap3A_152 = arith.constant 96 : index
      %swap3A_153 = tpu.vector_load %arg14[%swap3A_151, %swap3A_152] {strides = array<i32>} : memref<16x128xf32, #tpu.memory_space<vmem>>, vector<1x16xf32>,
      %swap3A_154 = vector.shape_cast %swap3A_153 : vector<1x16xf32> to vector<16xf32>
      %swap3A_155 = vector.shape_cast %broadcast_in_dim3A_150 : vector<16xf32> to vector<1x16xf32>
      tpu.vector_store %arg14[%swap3A_151, %swap3A_152], %swap3A_155 {strides = array<i32>} : memref<16x128xf32, #tpu.memory_space<vmem>>, vector<1x16xf32>,
      %broadcast_in_dim3A_156 = arith.constant 0.000000e+00 : f32
      %broadcast_in_dim3A_157 = vector.broadcast %broadcast_in_dim3A_156 : f32 to vector<16xf32>
      %swap3A_158 = arith.index_cast %scan3A_108 : i32 to index
      %swap3A_159 = arith.constant 112 : index
      %swap3A_160 = tpu.vector_load %arg14[%swap3A_158, %swap3A_159] {strides = array<i32>} : memref<16x128xf32, #tpu.memory_space<vmem>>, vector<1x16xf32>,
      %swap3A_161 = vector.shape_cast %swap3A_160 : vector<1x16xf32> to vector<16xf32>
      %swap3A_162 = vector.shape_cast %broadcast_in_dim3A_157 : vector<16xf32> to vector<1x16xf32>
      tpu.vector_store %arg14[%swap3A_158, %swap3A_159], %swap3A_162 {strides = array<i32>} : memref<16x128xf32, #tpu.memory_space<vmem>>, vector<1x16xf32>,
    }
    %scan3A_7 = arith.constant 16 : i32
    %scan3A_8 = arith.constant 0 : i32
    %scan3A_9 = arith.constant 0 : i32
    %scan3A_10 = arith.constant 40 : i32
    %scan3A_11 = arith.addi %scan3A_9, %scan3A_10 : i32
    %scan3A_12 = arith.constant 1 : i32
    scf.for %scan3A_108 = %scan3A_9 to %scan3A_11 step %scan3A_12  : i32 {
      %mul3A_109 = arith.constant 16 : i32
      %mul3A_110 = arith.muli %scan3A_108, %mul3A_109 : i32
      %add3A_111 = arith.addi %mul3A_2, %mul3A_110 : i32
      %dma_start3A_112 = arith.constant 0 : i32
      %dma_start3A_113 = tpu.memref_slice %arg9[%add3A_111, %dma_start3A_112] : memref<10240x128xf32, #tpu.memory_space<vmem_shared>> -> memref<16x128xf32, #tpu.memory_space<vmem_shared>>
      %dma_start3A_114 = arith.constant 0 : i32
      %dma_start3A_115 = tpu.memref_slice %arg9[%add3A_111, %dma_start3A_114] : memref<10240x128xf32, #tpu.memory_space<vmem_shared>> -> memref<16x128xf32, #tpu.memory_space<vmem_shared>>
      tpu.enqueue_dma source(%arg14 : memref<16x128xf32, #tpu.memory_space<vmem>>) target(%dma_start3A_115 : memref<16x128xf32, #tpu.memory_space<vmem_shared>>) target_semaphore(%arg17 : memref<!tpu.dma_semaphore, #tpu.memory_space<semaphore_mem>>)
    }
    %scan3A_13 = arith.constant 40 : i32
    %scan3A_14 = arith.constant 0 : i32
    %scan3A_15 = arith.constant 0 : i32
    %scan3A_16 = arith.constant 40 : i32
    %scan3A_17 = arith.addi %scan3A_15, %scan3A_16 : i32
    %scan3A_18 = arith.constant 1 : i32
    scf.for %scan3A_108 = %scan3A_15 to %scan3A_17 step %scan3A_18  : i32 {
      %mul3A_109 = arith.constant 16 : i32
      %mul3A_110 = arith.muli %scan3A_108, %mul3A_109 : i32
      %add3A_111 = arith.addi %mul3A_2, %mul3A_110 : i32
      %dma_wait3A = arith.constant 0 : i32
      %dma_wait3A_112 = tpu.memref_slice %arg9[%add3A_111, %dma_wait3A] : memref<10240x128xf32, #tpu.memory_space<vmem_shared>> -> memref<16x128xf32, #tpu.memory_space<vmem_shared>>
      %dma_wait3A_113 = arith.constant 0 : i32
      %dma_wait3A_114 = tpu.memref_slice %arg9[%add3A_111, %dma_wait3A_113] : memref<10240x128xf32, #tpu.memory_space<vmem_shared>> -> memref<16x128xf32, #tpu.memory_space<vmem_shared>>
      tpu.wait_dma2 semaphore(%arg17 : memref<!tpu.dma_semaphore, #tpu.memory_space<semaphore_mem>>) src(%arg14 : memref<16x128xf32, #tpu.memory_space<vmem>>) dst(%dma_wait3A_114 : memref<16x128xf32, #tpu.memory_space<vmem_shared>>)
    }
    %scan3A_19 = arith.constant 40 : i32
    %barrier3A = arith.constant 0 : index
    tpu.barrier barrier_id(%barrier3A)
    %mul3A_20 = arith.constant 80 : i32
    %mul3A_21 = arith.muli %add3A, %mul3A_20 : i32
    %add3A_22 = arith.constant 0 : i32
    %add3A_23 = arith.addi %mul3A_21, %add3A_22 : i32
    "tpu.region"() ({
      %run_scoped3A = tpu.sem_alloc : memref<!tpu.dma_semaphore, #tpu.memory_space<semaphore_mem>>
      %dma_start3A_108 = arith.constant 0 : i32
      %dma_start3A_109 = arith.constant 0 : i32
      %dma_start3A_110 = tpu.memref_slice %arg10[%dma_start3A_108, %dma_start3A_109] : memref<40x128xi32, #tpu.memory_space<vmem>> -> memref<40x128xi32, #tpu.memory_space<vmem>>
      %dma_start3A_111 = arith.constant 0 : i32
      %dma_start3A_112 = tpu.memref_slice %arg4[%add3A_23, %dma_start3A_111] : memref<2560x128xi32, #tpu.memory_space<hbm>> -> memref<40x128xi32, #tpu.memory_space<hbm>>
      %dma_start3A_113 = arith.constant 0 : i32
      %dma_start3A_114 = arith.constant 0 : i32
      %dma_start3A_115 = tpu.memref_slice %arg10[%dma_start3A_113, %dma_start3A_114] : memref<40x128xi32, #tpu.memory_space<vmem>> -> memref<40x128xi32, #tpu.memory_space<vmem>>
      %dma_start3A_116 = arith.constant 0 : i32
      %dma_start3A_117 = tpu.memref_slice %arg4[%add3A_23, %dma_start3A_116] : memref<2560x128xi32, #tpu.memory_space<hbm>> -> memref<40x128xi32, #tpu.memory_space<hbm>>
      tpu.enqueue_dma source(%dma_start3A_117 : memref<40x128xi32, #tpu.memory_space<hbm>>) target(%dma_start3A_115 : memref<40x128xi32, #tpu.memory_space<vmem>>) target_semaphore(%run_scoped3A : memref<!tpu.dma_semaphore, #tpu.memory_space<semaphore_mem>>)
      %dma_wait3A = arith.constant 0 : i32
      %dma_wait3A_118 = arith.constant 0 : i32
      %dma_wait3A_119 = tpu.memref_slice %arg10[%dma_wait3A, %dma_wait3A_118] : memref<40x128xi32, #tpu.memory_space<vmem>> -> memref<40x128xi32, #tpu.memory_space<vmem>>
      %dma_wait3A_120 = arith.constant 0 : i32
      %dma_wait3A_121 = tpu.memref_slice %arg4[%add3A_23, %dma_wait3A_120] : memref<2560x128xi32, #tpu.memory_space<hbm>> -> memref<40x128xi32, #tpu.memory_space<hbm>>
      %dma_wait3A_122 = arith.constant 0 : i32
      %dma_wait3A_123 = arith.constant 0 : i32
      %dma_wait3A_124 = tpu.memref_slice %arg10[%dma_wait3A_122, %dma_wait3A_123] : memref<40x128xi32, #tpu.memory_space<vmem>> -> memref<40x128xi32, #tpu.memory_space<vmem>>
      %dma_wait3A_125 = arith.constant 0 : i32
      %dma_wait3A_126 = tpu.memref_slice %arg4[%add3A_23, %dma_wait3A_125] : memref<2560x128xi32, #tpu.memory_space<hbm>> -> memref<40x128xi32, #tpu.memory_space<hbm>>
      tpu.wait_dma2 semaphore(%run_scoped3A : memref<!tpu.dma_semaphore, #tpu.memory_space<semaphore_mem>>) src(%dma_wait3A_126 : memref<40x128xi32, #tpu.memory_space<hbm>>) dst(%dma_wait3A_124 : memref<40x128xi32, #tpu.memory_space<vmem>>)
      tpu.yield
    }) : () -> ()
    "tpu.region"() ({
      %run_scoped3A = tpu.sem_alloc : memref<!tpu.dma_semaphore, #tpu.memory_space<semaphore_mem>>
      %dma_start3A_108 = arith.constant 0 : i32
      %dma_start3A_109 = arith.constant 0 : i32
      %dma_start3A_110 = tpu.memref_slice %arg11[%dma_start3A_108, %dma_start3A_109] : memref<40x128xi32, #tpu.memory_space<vmem>> -> memref<40x128xi32, #tpu.memory_space<vmem>>
      %dma_start3A_111 = arith.constant 0 : i32
      %dma_start3A_112 = tpu.memref_slice %arg5[%add3A_23, %dma_start3A_111] : memref<2560x128xi32, #tpu.memory_space<hbm>> -> memref<40x128xi32, #tpu.memory_space<hbm>>
      %dma_start3A_113 = arith.constant 0 : i32
      %dma_start3A_114 = arith.constant 0 : i32
      %dma_start3A_115 = tpu.memref_slice %arg11[%dma_start3A_113, %dma_start3A_114] : memref<40x128xi32, #tpu.memory_space<vmem>> -> memref<40x128xi32, #tpu.memory_space<vmem>>
      %dma_start3A_116 = arith.constant 0 : i32
      %dma_start3A_117 = tpu.memref_slice %arg5[%add3A_23, %dma_start3A_116] : memref<2560x128xi32, #tpu.memory_space<hbm>> -> memref<40x128xi32, #tpu.memory_space<hbm>>
      tpu.enqueue_dma source(%dma_start3A_117 : memref<40x128xi32, #tpu.memory_space<hbm>>) target(%dma_start3A_115 : memref<40x128xi32, #tpu.memory_space<vmem>>) target_semaphore(%run_scoped3A : memref<!tpu.dma_semaphore, #tpu.memory_space<semaphore_mem>>)
      %dma_wait3A = arith.constant 0 : i32
      %dma_wait3A_118 = arith.constant 0 : i32
      %dma_wait3A_119 = tpu.memref_slice %arg11[%dma_wait3A, %dma_wait3A_118] : memref<40x128xi32, #tpu.memory_space<vmem>> -> memref<40x128xi32, #tpu.memory_space<vmem>>
      %dma_wait3A_120 = arith.constant 0 : i32
      %dma_wait3A_121 = tpu.memref_slice %arg5[%add3A_23, %dma_wait3A_120] : memref<2560x128xi32, #tpu.memory_space<hbm>> -> memref<40x128xi32, #tpu.memory_space<hbm>>
      %dma_wait3A_122 = arith.constant 0 : i32
      %dma_wait3A_123 = arith.constant 0 : i32
      %dma_wait3A_124 = tpu.memref_slice %arg11[%dma_wait3A_122, %dma_wait3A_123] : memref<40x128xi32, #tpu.memory_space<vmem>> -> memref<40x128xi32, #tpu.memory_space<vmem>>
      %dma_wait3A_125 = arith.constant 0 : i32
      %dma_wait3A_126 = tpu.memref_slice %arg5[%add3A_23, %dma_wait3A_125] : memref<2560x128xi32, #tpu.memory_space<hbm>> -> memref<40x128xi32, #tpu.memory_space<hbm>>
      tpu.wait_dma2 semaphore(%run_scoped3A : memref<!tpu.dma_semaphore, #tpu.memory_space<semaphore_mem>>) src(%dma_wait3A_126 : memref<40x128xi32, #tpu.memory_space<hbm>>) dst(%dma_wait3A_124 : memref<40x128xi32, #tpu.memory_space<vmem>>)
      tpu.yield
    }) : () -> ()
    %dma_start3A = arith.constant 0 : i32
    %dma_start3A_24 = arith.constant 0 : i32
    %dma_start3A_25 = tpu.memref_slice %arg10[%dma_start3A, %dma_start3A_24] : memref<40x128xi32, #tpu.memory_space<vmem>> -> memref<1x128xi32, #tpu.memory_space<vmem>>
    %dma_start3A_26 = tpu.memref_squeeze %dma_start3A_25 : memref<1x128xi32, #tpu.memory_space<vmem>> -> memref<128xi32, #tpu.memory_space<vmem>>
    %dma_start3A_27 = arith.constant 0 : i32
    %dma_start3A_28 = arith.constant 0 : i32
    %dma_start3A_29 = tpu.memref_slice %arg2[%dma_start3A_27, %dma_start3A_28] : memref<10000x128xf32, #tpu.memory_space<hbm>> -> memref<10000x128xf32, #tpu.memory_space<hbm>>
    tpu.enqueue_indirect_dma source(%dma_start3A_29 : memref<10000x128xf32, #tpu.memory_space<hbm>>) target(%arg12 : memref<128x128xf32, #tpu.memory_space<vmem>>) offsets(%dma_start3A_26 : memref<128xi32, #tpu.memory_space<vmem>>) semaphore(%arg15 : memref<!tpu.dma_semaphore, #tpu.memory_space<semaphore_mem>>)
    %dma_start3A_30 = arith.constant 1 : i32
    %dma_start3A_31 = arith.constant 0 : i32
    %dma_start3A_32 = tpu.memref_slice %arg10[%dma_start3A_30, %dma_start3A_31] : memref<40x128xi32, #tpu.memory_space<vmem>> -> memref<1x128xi32, #tpu.memory_space<vmem>>
    %dma_start3A_33 = tpu.memref_squeeze %dma_start3A_32 : memref<1x128xi32, #tpu.memory_space<vmem>> -> memref<128xi32, #tpu.memory_space<vmem>>
    %dma_start3A_34 = arith.constant 0 : i32
    %dma_start3A_35 = arith.constant 0 : i32
    %dma_start3A_36 = tpu.memref_slice %arg2[%dma_start3A_34, %dma_start3A_35] : memref<10000x128xf32, #tpu.memory_space<hbm>> -> memref<10000x128xf32, #tpu.memory_space<hbm>>
    tpu.enqueue_indirect_dma source(%dma_start3A_36 : memref<10000x128xf32, #tpu.memory_space<hbm>>) target(%arg13 : memref<128x128xf32, #tpu.memory_space<vmem>>) offsets(%dma_start3A_33 : memref<128xi32, #tpu.memory_space<vmem>>) semaphore(%arg16 : memref<!tpu.dma_semaphore, #tpu.memory_space<semaphore_mem>>)
    %scan3A_37 = arith.constant 0 : i32
    %scan3A_38 = arith.constant 0 : i32
    %scan3A_39 = arith.constant 20 : i32
    %scan3A_40 = arith.addi %scan3A_38, %scan3A_39 : i32
    %scan3A_41 = arith.constant 1 : i32
    scf.for %scan3A_108 = %scan3A_38 to %scan3A_40 step %scan3A_41  : i32 {
      %mul3A_109 = arith.constant 2 : i32
      %mul3A_110 = arith.muli %mul3A_109, %scan3A_108 : i32
      %add3A_111 = arith.constant 0 : i32
      %add3A_112 = arith.addi %mul3A_110, %add3A_111 : i32
      %dma_wait3A = arith.constant 0 : i32
      %dma_wait3A_113 = tpu.memref_slice %arg10[%add3A_112, %dma_wait3A] : memref<40x128xi32, #tpu.memory_space<vmem>> -> memref<1x128xi32, #tpu.memory_space<vmem>>
      %dma_wait3A_114 = tpu.memref_squeeze %dma_wait3A_113 : memref<1x128xi32, #tpu.memory_space<vmem>> -> memref<128xi32, #tpu.memory_space<vmem>>
      %dma_wait3A_115 = arith.constant 0 : i32
      %dma_wait3A_116 = arith.constant 0 : i32
      %dma_wait3A_117 = tpu.memref_slice %arg2[%dma_wait3A_115, %dma_wait3A_116] : memref<10000x128xf32, #tpu.memory_space<hbm>> -> memref<10000x128xf32, #tpu.memory_space<hbm>>
      tpu.wait_indirect_dma semaphore(%arg15 : memref<!tpu.dma_semaphore, #tpu.memory_space<semaphore_mem>>) src(%dma_wait3A_117 : memref<10000x128xf32, #tpu.memory_space<hbm>>) dst(%arg12 : memref<128x128xf32, #tpu.memory_space<vmem>>)
      "tpu.region"() ({
        %run_scoped3A = tpu.sem_alloc : memref<!tpu.dma_semaphore, #tpu.memory_space<semaphore_mem>>
        %dma_start3A_135 = arith.constant 0 : i32
        %dma_start3A_136 = tpu.memref_slice %arg11[%add3A_112, %dma_start3A_135] : memref<40x128xi32, #tpu.memory_space<vmem>> -> memref<1x128xi32, #tpu.memory_space<vmem>>
        %dma_start3A_137 = tpu.memref_squeeze %dma_start3A_136 : memref<1x128xi32, #tpu.memory_space<vmem>> -> memref<128xi32, #tpu.memory_space<vmem>>
        %dma_start3A_138 = arith.constant 0 : i32
        %dma_start3A_139 = arith.constant 0 : i32
        %dma_start3A_140 = tpu.memref_slice %arg9[%dma_start3A_138, %dma_start3A_139] : memref<10240x128xf32, #tpu.memory_space<vmem_shared>> -> memref<10240x128xf32, #tpu.memory_space<vmem_shared>>
        tpu.enqueue_indirect_dma source(%arg12 : memref<128x128xf32, #tpu.memory_space<vmem>>) target(%dma_start3A_140 : memref<10240x128xf32, #tpu.memory_space<vmem_shared>>) offsets(%dma_start3A_137 : memref<128xi32, #tpu.memory_space<vmem>>) semaphore(%run_scoped3A : memref<!tpu.dma_semaphore, #tpu.memory_space<semaphore_mem>>) {add = true}
        %dma_wait3A_141 = arith.constant 0 : i32
        %dma_wait3A_142 = tpu.memref_slice %arg11[%add3A_112, %dma_wait3A_141] : memref<40x128xi32, #tpu.memory_space<vmem>> -> memref<1x128xi32, #tpu.memory_space<vmem>>
        %dma_wait3A_143 = tpu.memref_squeeze %dma_wait3A_142 : memref<1x128xi32, #tpu.memory_space<vmem>> -> memref<128xi32, #tpu.memory_space<vmem>>
        %dma_wait3A_144 = arith.constant 0 : i32
        %dma_wait3A_145 = arith.constant 0 : i32
        %dma_wait3A_146 = tpu.memref_slice %arg9[%dma_wait3A_144, %dma_wait3A_145] : memref<10240x128xf32, #tpu.memory_space<vmem_shared>> -> memref<10240x128xf32, #tpu.memory_space<vmem_shared>>
        tpu.wait_indirect_dma semaphore(%run_scoped3A : memref<!tpu.dma_semaphore, #tpu.memory_space<semaphore_mem>>) src(%arg12 : memref<128x128xf32, #tpu.memory_space<vmem>>) dst(%dma_wait3A_146 : memref<10240x128xf32, #tpu.memory_space<vmem_shared>>)
        tpu.yield
      }) : () -> ()
      %lt3A = arith.constant 19 : i32
      %lt3A_118 = arith.cmpi slt, %scan3A_108, %lt3A : i32
      %convert_element_type3A = arith.extui %lt3A_118 : i1 to i32
      %cond3A = arith.constant 0 : i32
      %cond3A_119 = arith.cmpi ne, %convert_element_type3A, %cond3A : i32
      scf.if %cond3A_119 {
        %add3A_135 = arith.constant 2 : i32
        %add3A_136 = arith.addi %add3A_112, %add3A_135 : i32
        %dma_start3A_137 = arith.constant 0 : i32
        %dma_start3A_138 = tpu.memref_slice %arg10[%add3A_136, %dma_start3A_137] : memref<40x128xi32, #tpu.memory_space<vmem>> -> memref<1x128xi32, #tpu.memory_space<vmem>>
        %dma_start3A_139 = tpu.memref_squeeze %dma_start3A_138 : memref<1x128xi32, #tpu.memory_space<vmem>> -> memref<128xi32, #tpu.memory_space<vmem>>
        %dma_start3A_140 = arith.constant 0 : i32
        %dma_start3A_141 = arith.constant 0 : i32
        %dma_start3A_142 = tpu.memref_slice %arg2[%dma_start3A_140, %dma_start3A_141] : memref<10000x128xf32, #tpu.memory_space<hbm>> -> memref<10000x128xf32, #tpu.memory_space<hbm>>
        tpu.enqueue_indirect_dma source(%dma_start3A_142 : memref<10000x128xf32, #tpu.memory_space<hbm>>) target(%arg12 : memref<128x128xf32, #tpu.memory_space<vmem>>) offsets(%dma_start3A_139 : memref<128xi32, #tpu.memory_space<vmem>>) semaphore(%arg15 : memref<!tpu.dma_semaphore, #tpu.memory_space<semaphore_mem>>)
      } else {
      }
      %mul3A_120 = arith.constant 2 : i32
      %mul3A_121 = arith.muli %mul3A_120, %scan3A_108 : i32
      %add3A_122 = arith.constant 1 : i32
      %add3A_123 = arith.addi %mul3A_121, %add3A_122 : i32
      %dma_wait3A_124 = arith.constant 0 : i32
      %dma_wait3A_125 = tpu.memref_slice %arg10[%add3A_123, %dma_wait3A_124] : memref<40x128xi32, #tpu.memory_space<vmem>> -> memref<1x128xi32, #tpu.memory_space<vmem>>
      %dma_wait3A_126 = tpu.memref_squeeze %dma_wait3A_125 : memref<1x128xi32, #tpu.memory_space<vmem>> -> memref<128xi32, #tpu.memory_space<vmem>>
      %dma_wait3A_127 = arith.constant 0 : i32
      %dma_wait3A_128 = arith.constant 0 : i32
      %dma_wait3A_129 = tpu.memref_slice %arg2[%dma_wait3A_127, %dma_wait3A_128] : memref<10000x128xf32, #tpu.memory_space<hbm>> -> memref<10000x128xf32, #tpu.memory_space<hbm>>
      tpu.wait_indirect_dma semaphore(%arg16 : memref<!tpu.dma_semaphore, #tpu.memory_space<semaphore_mem>>) src(%dma_wait3A_129 : memref<10000x128xf32, #tpu.memory_space<hbm>>) dst(%arg13 : memref<128x128xf32, #tpu.memory_space<vmem>>)
      "tpu.region"() ({
        %run_scoped3A = tpu.sem_alloc : memref<!tpu.dma_semaphore, #tpu.memory_space<semaphore_mem>>
        %dma_start3A_135 = arith.constant 0 : i32
        %dma_start3A_136 = tpu.memref_slice %arg11[%add3A_123, %dma_start3A_135] : memref<40x128xi32, #tpu.memory_space<vmem>> -> memref<1x128xi32, #tpu.memory_space<vmem>>
        %dma_start3A_137 = tpu.memref_squeeze %dma_start3A_136 : memref<1x128xi32, #tpu.memory_space<vmem>> -> memref<128xi32, #tpu.memory_space<vmem>>
        %dma_start3A_138 = arith.constant 0 : i32
        %dma_start3A_139 = arith.constant 0 : i32
        %dma_start3A_140 = tpu.memref_slice %arg9[%dma_start3A_138, %dma_start3A_139] : memref<10240x128xf32, #tpu.memory_space<vmem_shared>> -> memref<10240x128xf32, #tpu.memory_space<vmem_shared>>
        tpu.enqueue_indirect_dma source(%arg13 : memref<128x128xf32, #tpu.memory_space<vmem>>) target(%dma_start3A_140 : memref<10240x128xf32, #tpu.memory_space<vmem_shared>>) offsets(%dma_start3A_137 : memref<128xi32, #tpu.memory_space<vmem>>) semaphore(%run_scoped3A : memref<!tpu.dma_semaphore, #tpu.memory_space<semaphore_mem>>) {add = true}
        %dma_wait3A_141 = arith.constant 0 : i32
        %dma_wait3A_142 = tpu.memref_slice %arg11[%add3A_123, %dma_wait3A_141] : memref<40x128xi32, #tpu.memory_space<vmem>> -> memref<1x128xi32, #tpu.memory_space<vmem>>
        %dma_wait3A_143 = tpu.memref_squeeze %dma_wait3A_142 : memref<1x128xi32, #tpu.memory_space<vmem>> -> memref<128xi32, #tpu.memory_space<vmem>>
        %dma_wait3A_144 = arith.constant 0 : i32
        %dma_wait3A_145 = arith.constant 0 : i32
        %dma_wait3A_146 = tpu.memref_slice %arg9[%dma_wait3A_144, %dma_wait3A_145] : memref<10240x128xf32, #tpu.memory_space<vmem_shared>> -> memref<10240x128xf32, #tpu.memory_space<vmem_shared>>
        tpu.wait_indirect_dma semaphore(%run_scoped3A : memref<!tpu.dma_semaphore, #tpu.memory_space<semaphore_mem>>) src(%arg13 : memref<128x128xf32, #tpu.memory_space<vmem>>) dst(%dma_wait3A_146 : memref<10240x128xf32, #tpu.memory_space<vmem_shared>>)
        tpu.yield
      }) : () -> ()
      %lt3A_130 = arith.constant 19 : i32
      %lt3A_131 = arith.cmpi slt, %scan3A_108, %lt3A_130 : i32
      %convert_element_type3A_132 = arith.extui %lt3A_131 : i1 to i32
      %cond3A_133 = arith.constant 0 : i32
      %cond3A_134 = arith.cmpi ne, %convert_element_type3A_132, %cond3A_133 : i32
      scf.if %cond3A_134 {
        %add3A_135 = arith.constant 2 : i32
        %add3A_136 = arith.addi %add3A_123, %add3A_135 : i32
        %dma_start3A_137 = arith.constant 0 : i32
        %dma_start3A_138 = tpu.memref_slice %arg10[%add3A_136, %dma_start3A_137] : memref<40x128xi32, #tpu.memory_space<vmem>> -> memref<1x128xi32, #tpu.memory_space<vmem>>
        %dma_start3A_139 = tpu.memref_squeeze %dma_start3A_138 : memref<1x128xi32, #tpu.memory_space<vmem>> -> memref<128xi32, #tpu.memory_space<vmem>>
        %dma_start3A_140 = arith.constant 0 : i32
        %dma_start3A_141 = arith.constant 0 : i32
        %dma_start3A_142 = tpu.memref_slice %arg2[%dma_start3A_140, %dma_start3A_141] : memref<10000x128xf32, #tpu.memory_space<hbm>> -> memref<10000x128xf32, #tpu.memory_space<hbm>>
        tpu.enqueue_indirect_dma source(%dma_start3A_142 : memref<10000x128xf32, #tpu.memory_space<hbm>>) target(%arg13 : memref<128x128xf32, #tpu.memory_space<vmem>>) offsets(%dma_start3A_139 : memref<128xi32, #tpu.memory_space<vmem>>) semaphore(%arg16 : memref<!tpu.dma_semaphore, #tpu.memory_space<semaphore_mem>>)
      } else {
      }
    }
    %scan3A_42 = arith.constant 20 : i32
    %mul3A_43 = arith.constant 80 : i32
    %mul3A_44 = arith.muli %add3A, %mul3A_43 : i32
    %add3A_45 = arith.constant 40 : i32
    %add3A_46 = arith.addi %mul3A_44, %add3A_45 : i32
    "tpu.region"() ({
      %run_scoped3A = tpu.sem_alloc : memref<!tpu.dma_semaphore, #tpu.memory_space<semaphore_mem>>
      %dma_start3A_108 = arith.constant 0 : i32
      %dma_start3A_109 = arith.constant 0 : i32
      %dma_start3A_110 = tpu.memref_slice %arg10[%dma_start3A_108, %dma_start3A_109] : memref<40x128xi32, #tpu.memory_space<vmem>> -> memref<40x128xi32, #tpu.memory_space<vmem>>
      %dma_start3A_111 = arith.constant 0 : i32
      %dma_start3A_112 = tpu.memref_slice %arg4[%add3A_46, %dma_start3A_111] : memref<2560x128xi32, #tpu.memory_space<hbm>> -> memref<40x128xi32, #tpu.memory_space<hbm>>
      %dma_start3A_113 = arith.constant 0 : i32
      %dma_start3A_114 = arith.constant 0 : i32
      %dma_start3A_115 = tpu.memref_slice %arg10[%dma_start3A_113, %dma_start3A_114] : memref<40x128xi32, #tpu.memory_space<vmem>> -> memref<40x128xi32, #tpu.memory_space<vmem>>
      %dma_start3A_116 = arith.constant 0 : i32
      %dma_start3A_117 = tpu.memref_slice %arg4[%add3A_46, %dma_start3A_116] : memref<2560x128xi32, #tpu.memory_space<hbm>> -> memref<40x128xi32, #tpu.memory_space<hbm>>
      tpu.enqueue_dma source(%dma_start3A_117 : memref<40x128xi32, #tpu.memory_space<hbm>>) target(%dma_start3A_115 : memref<40x128xi32, #tpu.memory_space<vmem>>) target_semaphore(%run_scoped3A : memref<!tpu.dma_semaphore, #tpu.memory_space<semaphore_mem>>)
      %dma_wait3A = arith.constant 0 : i32
      %dma_wait3A_118 = arith.constant 0 : i32
      %dma_wait3A_119 = tpu.memref_slice %arg10[%dma_wait3A, %dma_wait3A_118] : memref<40x128xi32, #tpu.memory_space<vmem>> -> memref<40x128xi32, #tpu.memory_space<vmem>>
      %dma_wait3A_120 = arith.constant 0 : i32
      %dma_wait3A_121 = tpu.memref_slice %arg4[%add3A_46, %dma_wait3A_120] : memref<2560x128xi32, #tpu.memory_space<hbm>> -> memref<40x128xi32, #tpu.memory_space<hbm>>
      %dma_wait3A_122 = arith.constant 0 : i32
      %dma_wait3A_123 = arith.constant 0 : i32
      %dma_wait3A_124 = tpu.memref_slice %arg10[%dma_wait3A_122, %dma_wait3A_123] : memref<40x128xi32, #tpu.memory_space<vmem>> -> memref<40x128xi32, #tpu.memory_space<vmem>>
      %dma_wait3A_125 = arith.constant 0 : i32
      %dma_wait3A_126 = tpu.memref_slice %arg4[%add3A_46, %dma_wait3A_125] : memref<2560x128xi32, #tpu.memory_space<hbm>> -> memref<40x128xi32, #tpu.memory_space<hbm>>
      tpu.wait_dma2 semaphore(%run_scoped3A : memref<!tpu.dma_semaphore, #tpu.memory_space<semaphore_mem>>) src(%dma_wait3A_126 : memref<40x128xi32, #tpu.memory_space<hbm>>) dst(%dma_wait3A_124 : memref<40x128xi32, #tpu.memory_space<vmem>>)
      tpu.yield
    }) : () -> ()
    "tpu.region"() ({
      %run_scoped3A = tpu.sem_alloc : memref<!tpu.dma_semaphore, #tpu.memory_space<semaphore_mem>>
      %dma_start3A_108 = arith.constant 0 : i32
      %dma_start3A_109 = arith.constant 0 : i32
      %dma_start3A_110 = tpu.memref_slice %arg11[%dma_start3A_108, %dma_start3A_109] : memref<40x128xi32, #tpu.memory_space<vmem>> -> memref<40x128xi32, #tpu.memory_space<vmem>>
      %dma_start3A_111 = arith.constant 0 : i32
      %dma_start3A_112 = tpu.memref_slice %arg5[%add3A_46, %dma_start3A_111] : memref<2560x128xi32, #tpu.memory_space<hbm>> -> memref<40x128xi32, #tpu.memory_space<hbm>>
      %dma_start3A_113 = arith.constant 0 : i32
      %dma_start3A_114 = arith.constant 0 : i32
      %dma_start3A_115 = tpu.memref_slice %arg11[%dma_start3A_113, %dma_start3A_114] : memref<40x128xi32, #tpu.memory_space<vmem>> -> memref<40x128xi32, #tpu.memory_space<vmem>>
      %dma_start3A_116 = arith.constant 0 : i32
      %dma_start3A_117 = tpu.memref_slice %arg5[%add3A_46, %dma_start3A_116] : memref<2560x128xi32, #tpu.memory_space<hbm>> -> memref<40x128xi32, #tpu.memory_space<hbm>>
      tpu.enqueue_dma source(%dma_start3A_117 : memref<40x128xi32, #tpu.memory_space<hbm>>) target(%dma_start3A_115 : memref<40x128xi32, #tpu.memory_space<vmem>>) target_semaphore(%run_scoped3A : memref<!tpu.dma_semaphore, #tpu.memory_space<semaphore_mem>>)
      %dma_wait3A = arith.constant 0 : i32
      %dma_wait3A_118 = arith.constant 0 : i32
      %dma_wait3A_119 = tpu.memref_slice %arg11[%dma_wait3A, %dma_wait3A_118] : memref<40x128xi32, #tpu.memory_space<vmem>> -> memref<40x128xi32, #tpu.memory_space<vmem>>
      %dma_wait3A_120 = arith.constant 0 : i32
      %dma_wait3A_121 = tpu.memref_slice %arg5[%add3A_46, %dma_wait3A_120] : memref<2560x128xi32, #tpu.memory_space<hbm>> -> memref<40x128xi32, #tpu.memory_space<hbm>>
      %dma_wait3A_122 = arith.constant 0 : i32
      %dma_wait3A_123 = arith.constant 0 : i32
      %dma_wait3A_124 = tpu.memref_slice %arg11[%dma_wait3A_122, %dma_wait3A_123] : memref<40x128xi32, #tpu.memory_space<vmem>> -> memref<40x128xi32, #tpu.memory_space<vmem>>
      %dma_wait3A_125 = arith.constant 0 : i32
      %dma_wait3A_126 = tpu.memref_slice %arg5[%add3A_46, %dma_wait3A_125] : memref<2560x128xi32, #tpu.memory_space<hbm>> -> memref<40x128xi32, #tpu.memory_space<hbm>>
      tpu.wait_dma2 semaphore(%run_scoped3A : memref<!tpu.dma_semaphore, #tpu.memory_space<semaphore_mem>>) src(%dma_wait3A_126 : memref<40x128xi32, #tpu.memory_space<hbm>>) dst(%dma_wait3A_124 : memref<40x128xi32, #tpu.memory_space<vmem>>)
      tpu.yield
    }) : () -> ()
    %dma_start3A_47 = arith.constant 0 : i32
    %dma_start3A_48 = arith.constant 0 : i32
    %dma_start3A_49 = tpu.memref_slice %arg10[%dma_start3A_47, %dma_start3A_48] : memref<40x128xi32, #tpu.memory_space<vmem>> -> memref<1x128xi32, #tpu.memory_space<vmem>>
    %dma_start3A_50 = tpu.memref_squeeze %dma_start3A_49 : memref<1x128xi32, #tpu.memory_space<vmem>> -> memref<128xi32, #tpu.memory_space<vmem>>
    %dma_start3A_51 = arith.constant 0 : i32
    %dma_start3A_52 = arith.constant 0 : i32
    %dma_start3A_53 = tpu.memref_slice %arg2[%dma_start3A_51, %dma_start3A_52] : memref<10000x128xf32, #tpu.memory_space<hbm>> -> memref<10000x128xf32, #tpu.memory_space<hbm>>
    tpu.enqueue_indirect_dma source(%dma_start3A_53 : memref<10000x128xf32, #tpu.memory_space<hbm>>) target(%arg12 : memref<128x128xf32, #tpu.memory_space<vmem>>) offsets(%dma_start3A_50 : memref<128xi32, #tpu.memory_space<vmem>>) semaphore(%arg15 : memref<!tpu.dma_semaphore, #tpu.memory_space<semaphore_mem>>)
    %dma_start3A_54 = arith.constant 1 : i32
    %dma_start3A_55 = arith.constant 0 : i32
    %dma_start3A_56 = tpu.memref_slice %arg10[%dma_start3A_54, %dma_start3A_55] : memref<40x128xi32, #tpu.memory_space<vmem>> -> memref<1x128xi32, #tpu.memory_space<vmem>>
    %dma_start3A_57 = tpu.memref_squeeze %dma_start3A_56 : memref<1x128xi32, #tpu.memory_space<vmem>> -> memref<128xi32, #tpu.memory_space<vmem>>
    %dma_start3A_58 = arith.constant 0 : i32
    %dma_start3A_59 = arith.constant 0 : i32
    %dma_start3A_60 = tpu.memref_slice %arg2[%dma_start3A_58, %dma_start3A_59] : memref<10000x128xf32, #tpu.memory_space<hbm>> -> memref<10000x128xf32, #tpu.memory_space<hbm>>
    tpu.enqueue_indirect_dma source(%dma_start3A_60 : memref<10000x128xf32, #tpu.memory_space<hbm>>) target(%arg13 : memref<128x128xf32, #tpu.memory_space<vmem>>) offsets(%dma_start3A_57 : memref<128xi32, #tpu.memory_space<vmem>>) semaphore(%arg16 : memref<!tpu.dma_semaphore, #tpu.memory_space<semaphore_mem>>)
    %scan3A_61 = arith.constant 0 : i32
    %scan3A_62 = arith.constant 0 : i32
    %scan3A_63 = arith.constant 20 : i32
    %scan3A_64 = arith.addi %scan3A_62, %scan3A_63 : i32
    %scan3A_65 = arith.constant 1 : i32
    scf.for %scan3A_108 = %scan3A_62 to %scan3A_64 step %scan3A_65  : i32 {
      %mul3A_109 = arith.constant 2 : i32
      %mul3A_110 = arith.muli %mul3A_109, %scan3A_108 : i32
      %add3A_111 = arith.constant 0 : i32
      %add3A_112 = arith.addi %mul3A_110, %add3A_111 : i32
      %dma_wait3A = arith.constant 0 : i32
      %dma_wait3A_113 = tpu.memref_slice %arg10[%add3A_112, %dma_wait3A] : memref<40x128xi32, #tpu.memory_space<vmem>> -> memref<1x128xi32, #tpu.memory_space<vmem>>
      %dma_wait3A_114 = tpu.memref_squeeze %dma_wait3A_113 : memref<1x128xi32, #tpu.memory_space<vmem>> -> memref<128xi32, #tpu.memory_space<vmem>>
      %dma_wait3A_115 = arith.constant 0 : i32
      %dma_wait3A_116 = arith.constant 0 : i32
      %dma_wait3A_117 = tpu.memref_slice %arg2[%dma_wait3A_115, %dma_wait3A_116] : memref<10000x128xf32, #tpu.memory_space<hbm>> -> memref<10000x128xf32, #tpu.memory_space<hbm>>
      tpu.wait_indirect_dma semaphore(%arg15 : memref<!tpu.dma_semaphore, #tpu.memory_space<semaphore_mem>>) src(%dma_wait3A_117 : memref<10000x128xf32, #tpu.memory_space<hbm>>) dst(%arg12 : memref<128x128xf32, #tpu.memory_space<vmem>>)
      "tpu.region"() ({
        %run_scoped3A = tpu.sem_alloc : memref<!tpu.dma_semaphore, #tpu.memory_space<semaphore_mem>>
        %dma_start3A_135 = arith.constant 0 : i32
        %dma_start3A_136 = tpu.memref_slice %arg11[%add3A_112, %dma_start3A_135] : memref<40x128xi32, #tpu.memory_space<vmem>> -> memref<1x128xi32, #tpu.memory_space<vmem>>
        %dma_start3A_137 = tpu.memref_squeeze %dma_start3A_136 : memref<1x128xi32, #tpu.memory_space<vmem>> -> memref<128xi32, #tpu.memory_space<vmem>>
        %dma_start3A_138 = arith.constant 0 : i32
        %dma_start3A_139 = arith.constant 0 : i32
        %dma_start3A_140 = tpu.memref_slice %arg9[%dma_start3A_138, %dma_start3A_139] : memref<10240x128xf32, #tpu.memory_space<vmem_shared>> -> memref<10240x128xf32, #tpu.memory_space<vmem_shared>>
        tpu.enqueue_indirect_dma source(%arg12 : memref<128x128xf32, #tpu.memory_space<vmem>>) target(%dma_start3A_140 : memref<10240x128xf32, #tpu.memory_space<vmem_shared>>) offsets(%dma_start3A_137 : memref<128xi32, #tpu.memory_space<vmem>>) semaphore(%run_scoped3A : memref<!tpu.dma_semaphore, #tpu.memory_space<semaphore_mem>>) {add = true}
        %dma_wait3A_141 = arith.constant 0 : i32
        %dma_wait3A_142 = tpu.memref_slice %arg11[%add3A_112, %dma_wait3A_141] : memref<40x128xi32, #tpu.memory_space<vmem>> -> memref<1x128xi32, #tpu.memory_space<vmem>>
        %dma_wait3A_143 = tpu.memref_squeeze %dma_wait3A_142 : memref<1x128xi32, #tpu.memory_space<vmem>> -> memref<128xi32, #tpu.memory_space<vmem>>
        %dma_wait3A_144 = arith.constant 0 : i32
        %dma_wait3A_145 = arith.constant 0 : i32
        %dma_wait3A_146 = tpu.memref_slice %arg9[%dma_wait3A_144, %dma_wait3A_145] : memref<10240x128xf32, #tpu.memory_space<vmem_shared>> -> memref<10240x128xf32, #tpu.memory_space<vmem_shared>>
        tpu.wait_indirect_dma semaphore(%run_scoped3A : memref<!tpu.dma_semaphore, #tpu.memory_space<semaphore_mem>>) src(%arg12 : memref<128x128xf32, #tpu.memory_space<vmem>>) dst(%dma_wait3A_146 : memref<10240x128xf32, #tpu.memory_space<vmem_shared>>)
        tpu.yield
      }) : () -> ()
      %lt3A = arith.constant 19 : i32
      %lt3A_118 = arith.cmpi slt, %scan3A_108, %lt3A : i32
      %convert_element_type3A = arith.extui %lt3A_118 : i1 to i32
      %cond3A = arith.constant 0 : i32
      %cond3A_119 = arith.cmpi ne, %convert_element_type3A, %cond3A : i32
      scf.if %cond3A_119 {
        %add3A_135 = arith.constant 2 : i32
        %add3A_136 = arith.addi %add3A_112, %add3A_135 : i32
        %dma_start3A_137 = arith.constant 0 : i32
        %dma_start3A_138 = tpu.memref_slice %arg10[%add3A_136, %dma_start3A_137] : memref<40x128xi32, #tpu.memory_space<vmem>> -> memref<1x128xi32, #tpu.memory_space<vmem>>
        %dma_start3A_139 = tpu.memref_squeeze %dma_start3A_138 : memref<1x128xi32, #tpu.memory_space<vmem>> -> memref<128xi32, #tpu.memory_space<vmem>>
        %dma_start3A_140 = arith.constant 0 : i32
        %dma_start3A_141 = arith.constant 0 : i32
        %dma_start3A_142 = tpu.memref_slice %arg2[%dma_start3A_140, %dma_start3A_141] : memref<10000x128xf32, #tpu.memory_space<hbm>> -> memref<10000x128xf32, #tpu.memory_space<hbm>>
        tpu.enqueue_indirect_dma source(%dma_start3A_142 : memref<10000x128xf32, #tpu.memory_space<hbm>>) target(%arg12 : memref<128x128xf32, #tpu.memory_space<vmem>>) offsets(%dma_start3A_139 : memref<128xi32, #tpu.memory_space<vmem>>) semaphore(%arg15 : memref<!tpu.dma_semaphore, #tpu.memory_space<semaphore_mem>>)
      } else {
      }
      %mul3A_120 = arith.constant 2 : i32
      %mul3A_121 = arith.muli %mul3A_120, %scan3A_108 : i32
      %add3A_122 = arith.constant 1 : i32
      %add3A_123 = arith.addi %mul3A_121, %add3A_122 : i32
      %dma_wait3A_124 = arith.constant 0 : i32
      %dma_wait3A_125 = tpu.memref_slice %arg10[%add3A_123, %dma_wait3A_124] : memref<40x128xi32, #tpu.memory_space<vmem>> -> memref<1x128xi32, #tpu.memory_space<vmem>>
      %dma_wait3A_126 = tpu.memref_squeeze %dma_wait3A_125 : memref<1x128xi32, #tpu.memory_space<vmem>> -> memref<128xi32, #tpu.memory_space<vmem>>
      %dma_wait3A_127 = arith.constant 0 : i32
      %dma_wait3A_128 = arith.constant 0 : i32
      %dma_wait3A_129 = tpu.memref_slice %arg2[%dma_wait3A_127, %dma_wait3A_128] : memref<10000x128xf32, #tpu.memory_space<hbm>> -> memref<10000x128xf32, #tpu.memory_space<hbm>>
      tpu.wait_indirect_dma semaphore(%arg16 : memref<!tpu.dma_semaphore, #tpu.memory_space<semaphore_mem>>) src(%dma_wait3A_129 : memref<10000x128xf32, #tpu.memory_space<hbm>>) dst(%arg13 : memref<128x128xf32, #tpu.memory_space<vmem>>)
      "tpu.region"() ({
        %run_scoped3A = tpu.sem_alloc : memref<!tpu.dma_semaphore, #tpu.memory_space<semaphore_mem>>
        %dma_start3A_135 = arith.constant 0 : i32
        %dma_start3A_136 = tpu.memref_slice %arg11[%add3A_123, %dma_start3A_135] : memref<40x128xi32, #tpu.memory_space<vmem>> -> memref<1x128xi32, #tpu.memory_space<vmem>>
        %dma_start3A_137 = tpu.memref_squeeze %dma_start3A_136 : memref<1x128xi32, #tpu.memory_space<vmem>> -> memref<128xi32, #tpu.memory_space<vmem>>
        %dma_start3A_138 = arith.constant 0 : i32
        %dma_start3A_139 = arith.constant 0 : i32
        %dma_start3A_140 = tpu.memref_slice %arg9[%dma_start3A_138, %dma_start3A_139] : memref<10240x128xf32, #tpu.memory_space<vmem_shared>> -> memref<10240x128xf32, #tpu.memory_space<vmem_shared>>
        tpu.enqueue_indirect_dma source(%arg13 : memref<128x128xf32, #tpu.memory_space<vmem>>) target(%dma_start3A_140 : memref<10240x128xf32, #tpu.memory_space<vmem_shared>>) offsets(%dma_start3A_137 : memref<128xi32, #tpu.memory_space<vmem>>) semaphore(%run_scoped3A : memref<!tpu.dma_semaphore, #tpu.memory_space<semaphore_mem>>) {add = true}
        %dma_wait3A_141 = arith.constant 0 : i32
        %dma_wait3A_142 = tpu.memref_slice %arg11[%add3A_123, %dma_wait3A_141] : memref<40x128xi32, #tpu.memory_space<vmem>> -> memref<1x128xi32, #tpu.memory_space<vmem>>
        %dma_wait3A_143 = tpu.memref_squeeze %dma_wait3A_142 : memref<1x128xi32, #tpu.memory_space<vmem>> -> memref<128xi32, #tpu.memory_space<vmem>>
        %dma_wait3A_144 = arith.constant 0 : i32
        %dma_wait3A_145 = arith.constant 0 : i32
        %dma_wait3A_146 = tpu.memref_slice %arg9[%dma_wait3A_144, %dma_wait3A_145] : memref<10240x128xf32, #tpu.memory_space<vmem_shared>> -> memref<10240x128xf32, #tpu.memory_space<vmem_shared>>
        tpu.wait_indirect_dma semaphore(%run_scoped3A : memref<!tpu.dma_semaphore, #tpu.memory_space<semaphore_mem>>) src(%arg13 : memref<128x128xf32, #tpu.memory_space<vmem>>) dst(%dma_wait3A_146 : memref<10240x128xf32, #tpu.memory_space<vmem_shared>>)
        tpu.yield
      }) : () -> ()
      %lt3A_130 = arith.constant 19 : i32
      %lt3A_131 = arith.cmpi slt, %scan3A_108, %lt3A_130 : i32
      %convert_element_type3A_132 = arith.extui %lt3A_131 : i1 to i32
      %cond3A_133 = arith.constant 0 : i32
      %cond3A_134 = arith.cmpi ne, %convert_element_type3A_132, %cond3A_133 : i32
      scf.if %cond3A_134 {
        %add3A_135 = arith.constant 2 : i32
        %add3A_136 = arith.addi %add3A_123, %add3A_135 : i32
        %dma_start3A_137 = arith.constant 0 : i32
        %dma_start3A_138 = tpu.memref_slice %arg10[%add3A_136, %dma_start3A_137] : memref<40x128xi32, #tpu.memory_space<vmem>> -> memref<1x128xi32, #tpu.memory_space<vmem>>
        %dma_start3A_139 = tpu.memref_squeeze %dma_start3A_138 : memref<1x128xi32, #tpu.memory_space<vmem>> -> memref<128xi32, #tpu.memory_space<vmem>>
        %dma_start3A_140 = arith.constant 0 : i32
        %dma_start3A_141 = arith.constant 0 : i32
        %dma_start3A_142 = tpu.memref_slice %arg2[%dma_start3A_140, %dma_start3A_141] : memref<10000x128xf32, #tpu.memory_space<hbm>> -> memref<10000x128xf32, #tpu.memory_space<hbm>>
        tpu.enqueue_indirect_dma source(%dma_start3A_142 : memref<10000x128xf32, #tpu.memory_space<hbm>>) target(%arg13 : memref<128x128xf32, #tpu.memory_space<vmem>>) offsets(%dma_start3A_139 : memref<128xi32, #tpu.memory_space<vmem>>) semaphore(%arg16 : memref<!tpu.dma_semaphore, #tpu.memory_space<semaphore_mem>>)
      } else {
      }
    }
    %scan3A_66 = arith.constant 20 : i32
    %barrier3A_67 = arith.constant 0 : index
    tpu.barrier barrier_id(%barrier3A_67)
    "tpu.region"() ({
      %run_scoped3A = tpu.sem_alloc : memref<!tpu.dma_semaphore, #tpu.memory_space<semaphore_mem>>
      %dma_start3A_108 = arith.constant 0 : i32
      %dma_start3A_109 = tpu.memref_slice %arg8[%arg0, %mul3A_2, %dma_start3A_108] : memref<4x10240x128xf32, #tpu.memory_space<hbm>> -> memref<1x640x128xf32, #tpu.memory_space<hbm>>
      %dma_start3A_110 = tpu.memref_squeeze %dma_start3A_109 : memref<1x640x128xf32, #tpu.memory_space<hbm>> -> memref<640x128xf32, #tpu.memory_space<hbm>>
      %dma_start3A_111 = arith.constant 0 : i32
      %dma_start3A_112 = tpu.memref_slice %arg9[%mul3A_2, %dma_start3A_111] : memref<10240x128xf32, #tpu.memory_space<vmem_shared>> -> memref<640x128xf32, #tpu.memory_space<vmem_shared>>
      tpu.enqueue_dma source(%dma_start3A_112 : memref<640x128xf32, #tpu.memory_space<vmem_shared>>) target(%dma_start3A_110 : memref<640x128xf32, #tpu.memory_space<hbm>>) target_semaphore(%run_scoped3A : memref<!tpu.dma_semaphore, #tpu.memory_space<semaphore_mem>>)
      %dma_wait3A = arith.constant 0 : i32
      %dma_wait3A_113 = tpu.memref_slice %arg8[%arg0, %mul3A_2, %dma_wait3A] : memref<4x10240x128xf32, #tpu.memory_space<hbm>> -> memref<1x640x128xf32, #tpu.memory_space<hbm>>
      %dma_wait3A_114 = tpu.memref_squeeze %dma_wait3A_113 : memref<1x640x128xf32, #tpu.memory_space<hbm>> -> memref<640x128xf32, #tpu.memory_space<hbm>>
      %dma_wait3A_115 = arith.constant 0 : i32
      %dma_wait3A_116 = tpu.memref_slice %arg9[%mul3A_2, %dma_wait3A_115] : memref<10240x128xf32, #tpu.memory_space<vmem_shared>> -> memref<640x128xf32, #tpu.memory_space<vmem_shared>>
      tpu.wait_dma2 semaphore(%run_scoped3A : memref<!tpu.dma_semaphore, #tpu.memory_space<semaphore_mem>>) src(%dma_wait3A_116 : memref<640x128xf32, #tpu.memory_space<vmem_shared>>) dst(%dma_wait3A_114 : memref<640x128xf32, #tpu.memory_space<hbm>>)
      tpu.yield
    }) : () -> ()
    %scan3A_68 = arith.constant 0 : i32
    %scan3A_69 = arith.constant 0 : i32
    %scan3A_70 = arith.constant 40 : i32
    %scan3A_71 = arith.addi %scan3A_69, %scan3A_70 : i32
    %scan3A_72 = arith.constant 1 : i32
    scf.for %scan3A_108 = %scan3A_69 to %scan3A_71 step %scan3A_72  : i32 {
      %mul3A_109 = arith.constant 16 : i32
      %mul3A_110 = arith.muli %scan3A_108, %mul3A_109 : i32
      %add3A_111 = arith.addi %mul3A_2, %mul3A_110 : i32
      %dma_start3A_112 = arith.constant 0 : i32
      %dma_start3A_113 = tpu.memref_slice %arg9[%add3A_111, %dma_start3A_112] : memref<10240x128xf32, #tpu.memory_space<vmem_shared>> -> memref<16x128xf32, #tpu.memory_space<vmem_shared>>
      %dma_start3A_114 = arith.constant 0 : i32
      %dma_start3A_115 = tpu.memref_slice %arg9[%add3A_111, %dma_start3A_114] : memref<10240x128xf32, #tpu.memory_space<vmem_shared>> -> memref<16x128xf32, #tpu.memory_space<vmem_shared>>
      tpu.enqueue_dma source(%arg14 : memref<16x128xf32, #tpu.memory_space<vmem>>) target(%dma_start3A_115 : memref<16x128xf32, #tpu.memory_space<vmem_shared>>) target_semaphore(%arg17 : memref<!tpu.dma_semaphore, #tpu.memory_space<semaphore_mem>>)
    }
    %scan3A_73 = arith.constant 40 : i32
    %scan3A_74 = arith.constant 0 : i32
    %scan3A_75 = arith.constant 0 : i32
    %scan3A_76 = arith.constant 40 : i32
    %scan3A_77 = arith.addi %scan3A_75, %scan3A_76 : i32
    %scan3A_78 = arith.constant 1 : i32
    scf.for %scan3A_108 = %scan3A_75 to %scan3A_77 step %scan3A_78  : i32 {
      %mul3A_109 = arith.constant 16 : i32
      %mul3A_110 = arith.muli %scan3A_108, %mul3A_109 : i32
      %add3A_111 = arith.addi %mul3A_2, %mul3A_110 : i32
      %dma_wait3A = arith.constant 0 : i32
      %dma_wait3A_112 = tpu.memref_slice %arg9[%add3A_111, %dma_wait3A] : memref<10240x128xf32, #tpu.memory_space<vmem_shared>> -> memref<16x128xf32, #tpu.memory_space<vmem_shared>>
      %dma_wait3A_113 = arith.constant 0 : i32
      %dma_wait3A_114 = tpu.memref_slice %arg9[%add3A_111, %dma_wait3A_113] : memref<10240x128xf32, #tpu.memory_space<vmem_shared>> -> memref<16x128xf32, #tpu.memory_space<vmem_shared>>
      tpu.wait_dma2 semaphore(%arg17 : memref<!tpu.dma_semaphore, #tpu.memory_space<semaphore_mem>>) src(%arg14 : memref<16x128xf32, #tpu.memory_space<vmem>>) dst(%dma_wait3A_114 : memref<16x128xf32, #tpu.memory_space<vmem_shared>>)
    }
    %scan3A_79 = arith.constant 40 : i32
    %barrier3A_80 = arith.constant 0 : index
    tpu.barrier barrier_id(%barrier3A_80)
    %mul3A_81 = arith.constant 8 : i32
    %mul3A_82 = arith.muli %add3A, %mul3A_81 : i32
    %add3A_83 = arith.constant 0 : i32
    %add3A_84 = arith.addi %mul3A_82, %add3A_83 : i32
    "tpu.region"() ({
      %run_scoped3A = tpu.sem_alloc : memref<!tpu.dma_semaphore, #tpu.memory_space<semaphore_mem>>
      %dma_start3A_108 = arith.constant 0 : i32
      %dma_start3A_109 = arith.constant 0 : i32
      %dma_start3A_110 = tpu.memref_slice %arg10[%dma_start3A_108, %dma_start3A_109] : memref<40x128xi32, #tpu.memory_space<vmem>> -> memref<8x128xi32, #tpu.memory_space<vmem>>
      %dma_start3A_111 = arith.constant 0 : i32
      %dma_start3A_112 = tpu.memref_slice %arg6[%add3A_84, %dma_start3A_111] : memref<256x128xi32, #tpu.memory_space<hbm>> -> memref<8x128xi32, #tpu.memory_space<hbm>>
      %dma_start3A_113 = arith.constant 0 : i32
      %dma_start3A_114 = arith.constant 0 : i32
      %dma_start3A_115 = tpu.memref_slice %arg10[%dma_start3A_113, %dma_start3A_114] : memref<40x128xi32, #tpu.memory_space<vmem>> -> memref<8x128xi32, #tpu.memory_space<vmem>>
      %dma_start3A_116 = arith.constant 0 : i32
      %dma_start3A_117 = tpu.memref_slice %arg6[%add3A_84, %dma_start3A_116] : memref<256x128xi32, #tpu.memory_space<hbm>> -> memref<8x128xi32, #tpu.memory_space<hbm>>
      tpu.enqueue_dma source(%dma_start3A_117 : memref<8x128xi32, #tpu.memory_space<hbm>>) target(%dma_start3A_115 : memref<8x128xi32, #tpu.memory_space<vmem>>) target_semaphore(%run_scoped3A : memref<!tpu.dma_semaphore, #tpu.memory_space<semaphore_mem>>)
      %dma_wait3A = arith.constant 0 : i32
      %dma_wait3A_118 = arith.constant 0 : i32
      %dma_wait3A_119 = tpu.memref_slice %arg10[%dma_wait3A, %dma_wait3A_118] : memref<40x128xi32, #tpu.memory_space<vmem>> -> memref<8x128xi32, #tpu.memory_space<vmem>>
      %dma_wait3A_120 = arith.constant 0 : i32
      %dma_wait3A_121 = tpu.memref_slice %arg6[%add3A_84, %dma_wait3A_120] : memref<256x128xi32, #tpu.memory_space<hbm>> -> memref<8x128xi32, #tpu.memory_space<hbm>>
      %dma_wait3A_122 = arith.constant 0 : i32
      %dma_wait3A_123 = arith.constant 0 : i32
      %dma_wait3A_124 = tpu.memref_slice %arg10[%dma_wait3A_122, %dma_wait3A_123] : memref<40x128xi32, #tpu.memory_space<vmem>> -> memref<8x128xi32, #tpu.memory_space<vmem>>
      %dma_wait3A_125 = arith.constant 0 : i32
      %dma_wait3A_126 = tpu.memref_slice %arg6[%add3A_84, %dma_wait3A_125] : memref<256x128xi32, #tpu.memory_space<hbm>> -> memref<8x128xi32, #tpu.memory_space<hbm>>
      tpu.wait_dma2 semaphore(%run_scoped3A : memref<!tpu.dma_semaphore, #tpu.memory_space<semaphore_mem>>) src(%dma_wait3A_126 : memref<8x128xi32, #tpu.memory_space<hbm>>) dst(%dma_wait3A_124 : memref<8x128xi32, #tpu.memory_space<vmem>>)
      tpu.yield
    }) : () -> ()
    "tpu.region"() ({
      %run_scoped3A = tpu.sem_alloc : memref<!tpu.dma_semaphore, #tpu.memory_space<semaphore_mem>>
      %dma_start3A_108 = arith.constant 0 : i32
      %dma_start3A_109 = arith.constant 0 : i32
      %dma_start3A_110 = tpu.memref_slice %arg11[%dma_start3A_108, %dma_start3A_109] : memref<40x128xi32, #tpu.memory_space<vmem>> -> memref<8x128xi32, #tpu.memory_space<vmem>>
      %dma_start3A_111 = arith.constant 0 : i32
      %dma_start3A_112 = tpu.memref_slice %arg7[%add3A_84, %dma_start3A_111] : memref<256x128xi32, #tpu.memory_space<hbm>> -> memref<8x128xi32, #tpu.memory_space<hbm>>
      %dma_start3A_113 = arith.constant 0 : i32
      %dma_start3A_114 = arith.constant 0 : i32
      %dma_start3A_115 = tpu.memref_slice %arg11[%dma_start3A_113, %dma_start3A_114] : memref<40x128xi32, #tpu.memory_space<vmem>> -> memref<8x128xi32, #tpu.memory_space<vmem>>
      %dma_start3A_116 = arith.constant 0 : i32
      %dma_start3A_117 = tpu.memref_slice %arg7[%add3A_84, %dma_start3A_116] : memref<256x128xi32, #tpu.memory_space<hbm>> -> memref<8x128xi32, #tpu.memory_space<hbm>>
      tpu.enqueue_dma source(%dma_start3A_117 : memref<8x128xi32, #tpu.memory_space<hbm>>) target(%dma_start3A_115 : memref<8x128xi32, #tpu.memory_space<vmem>>) target_semaphore(%run_scoped3A : memref<!tpu.dma_semaphore, #tpu.memory_space<semaphore_mem>>)
      %dma_wait3A = arith.constant 0 : i32
      %dma_wait3A_118 = arith.constant 0 : i32
      %dma_wait3A_119 = tpu.memref_slice %arg11[%dma_wait3A, %dma_wait3A_118] : memref<40x128xi32, #tpu.memory_space<vmem>> -> memref<8x128xi32, #tpu.memory_space<vmem>>
      %dma_wait3A_120 = arith.constant 0 : i32
      %dma_wait3A_121 = tpu.memref_slice %arg7[%add3A_84, %dma_wait3A_120] : memref<256x128xi32, #tpu.memory_space<hbm>> -> memref<8x128xi32, #tpu.memory_space<hbm>>
      %dma_wait3A_122 = arith.constant 0 : i32
      %dma_wait3A_123 = arith.constant 0 : i32
      %dma_wait3A_124 = tpu.memref_slice %arg11[%dma_wait3A_122, %dma_wait3A_123] : memref<40x128xi32, #tpu.memory_space<vmem>> -> memref<8x128xi32, #tpu.memory_space<vmem>>
      %dma_wait3A_125 = arith.constant 0 : i32
      %dma_wait3A_126 = tpu.memref_slice %arg7[%add3A_84, %dma_wait3A_125] : memref<256x128xi32, #tpu.memory_space<hbm>> -> memref<8x128xi32, #tpu.memory_space<hbm>>
      tpu.wait_dma2 semaphore(%run_scoped3A : memref<!tpu.dma_semaphore, #tpu.memory_space<semaphore_mem>>) src(%dma_wait3A_126 : memref<8x128xi32, #tpu.memory_space<hbm>>) dst(%dma_wait3A_124 : memref<8x128xi32, #tpu.memory_space<vmem>>)
      tpu.yield
    }) : () -> ()
    %dma_start3A_85 = arith.constant 0 : i32
    %dma_start3A_86 = arith.constant 0 : i32
    %dma_start3A_87 = tpu.memref_slice %arg10[%dma_start3A_85, %dma_start3A_86] : memref<40x128xi32, #tpu.memory_space<vmem>> -> memref<1x128xi32, #tpu.memory_space<vmem>>
    %dma_start3A_88 = tpu.memref_squeeze %dma_start3A_87 : memref<1x128xi32, #tpu.memory_space<vmem>> -> memref<128xi32, #tpu.memory_space<vmem>>
    %dma_start3A_89 = arith.constant 0 : i32
    %dma_start3A_90 = arith.constant 0 : i32
    %dma_start3A_91 = tpu.memref_slice %arg3[%dma_start3A_89, %dma_start3A_90] : memref<10000x128xf32, #tpu.memory_space<hbm>> -> memref<10000x128xf32, #tpu.memory_space<hbm>>
    tpu.enqueue_indirect_dma source(%dma_start3A_91 : memref<10000x128xf32, #tpu.memory_space<hbm>>) target(%arg12 : memref<128x128xf32, #tpu.memory_space<vmem>>) offsets(%dma_start3A_88 : memref<128xi32, #tpu.memory_space<vmem>>) semaphore(%arg15 : memref<!tpu.dma_semaphore, #tpu.memory_space<semaphore_mem>>)
    %dma_start3A_92 = arith.constant 1 : i32
    %dma_start3A_93 = arith.constant 0 : i32
    %dma_start3A_94 = tpu.memref_slice %arg10[%dma_start3A_92, %dma_start3A_93] : memref<40x128xi32, #tpu.memory_space<vmem>> -> memref<1x128xi32, #tpu.memory_space<vmem>>
    %dma_start3A_95 = tpu.memref_squeeze %dma_start3A_94 : memref<1x128xi32, #tpu.memory_space<vmem>> -> memref<128xi32, #tpu.memory_space<vmem>>
    %dma_start3A_96 = arith.constant 0 : i32
    %dma_start3A_97 = arith.constant 0 : i32
    %dma_start3A_98 = tpu.memref_slice %arg3[%dma_start3A_96, %dma_start3A_97] : memref<10000x128xf32, #tpu.memory_space<hbm>> -> memref<10000x128xf32, #tpu.memory_space<hbm>>
    tpu.enqueue_indirect_dma source(%dma_start3A_98 : memref<10000x128xf32, #tpu.memory_space<hbm>>) target(%arg13 : memref<128x128xf32, #tpu.memory_space<vmem>>) offsets(%dma_start3A_95 : memref<128xi32, #tpu.memory_space<vmem>>) semaphore(%arg16 : memref<!tpu.dma_semaphore, #tpu.memory_space<semaphore_mem>>)
    %scan3A_99 = arith.constant 0 : i32
    %scan3A_100 = arith.constant 0 : i32
    %scan3A_101 = arith.constant 4 : i32
    %scan3A_102 = arith.addi %scan3A_100, %scan3A_101 : i32
    %scan3A_103 = arith.constant 1 : i32
    scf.for %scan3A_108 = %scan3A_100 to %scan3A_102 step %scan3A_103  : i32 {
      %mul3A_109 = arith.constant 2 : i32
      %mul3A_110 = arith.muli %mul3A_109, %scan3A_108 : i32
      %add3A_111 = arith.constant 0 : i32
      %add3A_112 = arith.addi %mul3A_110, %add3A_111 : i32
      %dma_wait3A = arith.constant 0 : i32
      %dma_wait3A_113 = tpu.memref_slice %arg10[%add3A_112, %dma_wait3A] : memref<40x128xi32, #tpu.memory_space<vmem>> -> memref<1x128xi32, #tpu.memory_space<vmem>>
      %dma_wait3A_114 = tpu.memref_squeeze %dma_wait3A_113 : memref<1x128xi32, #tpu.memory_space<vmem>> -> memref<128xi32, #tpu.memory_space<vmem>>
      %dma_wait3A_115 = arith.constant 0 : i32
      %dma_wait3A_116 = arith.constant 0 : i32
      %dma_wait3A_117 = tpu.memref_slice %arg3[%dma_wait3A_115, %dma_wait3A_116] : memref<10000x128xf32, #tpu.memory_space<hbm>> -> memref<10000x128xf32, #tpu.memory_space<hbm>>
      tpu.wait_indirect_dma semaphore(%arg15 : memref<!tpu.dma_semaphore, #tpu.memory_space<semaphore_mem>>) src(%dma_wait3A_117 : memref<10000x128xf32, #tpu.memory_space<hbm>>) dst(%arg12 : memref<128x128xf32, #tpu.memory_space<vmem>>)
      "tpu.region"() ({
        %run_scoped3A = tpu.sem_alloc : memref<!tpu.dma_semaphore, #tpu.memory_space<semaphore_mem>>
        %dma_start3A_135 = arith.constant 0 : i32
        %dma_start3A_136 = tpu.memref_slice %arg11[%add3A_112, %dma_start3A_135] : memref<40x128xi32, #tpu.memory_space<vmem>> -> memref<1x128xi32, #tpu.memory_space<vmem>>
        %dma_start3A_137 = tpu.memref_squeeze %dma_start3A_136 : memref<1x128xi32, #tpu.memory_space<vmem>> -> memref<128xi32, #tpu.memory_space<vmem>>
        %dma_start3A_138 = arith.constant 0 : i32
        %dma_start3A_139 = arith.constant 0 : i32
        %dma_start3A_140 = tpu.memref_slice %arg9[%dma_start3A_138, %dma_start3A_139] : memref<10240x128xf32, #tpu.memory_space<vmem_shared>> -> memref<10240x128xf32, #tpu.memory_space<vmem_shared>>
        tpu.enqueue_indirect_dma source(%arg12 : memref<128x128xf32, #tpu.memory_space<vmem>>) target(%dma_start3A_140 : memref<10240x128xf32, #tpu.memory_space<vmem_shared>>) offsets(%dma_start3A_137 : memref<128xi32, #tpu.memory_space<vmem>>) semaphore(%run_scoped3A : memref<!tpu.dma_semaphore, #tpu.memory_space<semaphore_mem>>) {add = true}
        %dma_wait3A_141 = arith.constant 0 : i32
        %dma_wait3A_142 = tpu.memref_slice %arg11[%add3A_112, %dma_wait3A_141] : memref<40x128xi32, #tpu.memory_space<vmem>> -> memref<1x128xi32, #tpu.memory_space<vmem>>
        %dma_wait3A_143 = tpu.memref_squeeze %dma_wait3A_142 : memref<1x128xi32, #tpu.memory_space<vmem>> -> memref<128xi32, #tpu.memory_space<vmem>>
        %dma_wait3A_144 = arith.constant 0 : i32
        %dma_wait3A_145 = arith.constant 0 : i32
        %dma_wait3A_146 = tpu.memref_slice %arg9[%dma_wait3A_144, %dma_wait3A_145] : memref<10240x128xf32, #tpu.memory_space<vmem_shared>> -> memref<10240x128xf32, #tpu.memory_space<vmem_shared>>
        tpu.wait_indirect_dma semaphore(%run_scoped3A : memref<!tpu.dma_semaphore, #tpu.memory_space<semaphore_mem>>) src(%arg12 : memref<128x128xf32, #tpu.memory_space<vmem>>) dst(%dma_wait3A_146 : memref<10240x128xf32, #tpu.memory_space<vmem_shared>>)
        tpu.yield
      }) : () -> ()
      %lt3A = arith.constant 3 : i32
      %lt3A_118 = arith.cmpi slt, %scan3A_108, %lt3A : i32
      %convert_element_type3A = arith.extui %lt3A_118 : i1 to i32
      %cond3A = arith.constant 0 : i32
      %cond3A_119 = arith.cmpi ne, %convert_element_type3A, %cond3A : i32
      scf.if %cond3A_119 {
        %add3A_135 = arith.constant 2 : i32
        %add3A_136 = arith.addi %add3A_112, %add3A_135 : i32
        %dma_start3A_137 = arith.constant 0 : i32
        %dma_start3A_138 = tpu.memref_slice %arg10[%add3A_136, %dma_start3A_137] : memref<40x128xi32, #tpu.memory_space<vmem>> -> memref<1x128xi32, #tpu.memory_space<vmem>>
        %dma_start3A_139 = tpu.memref_squeeze %dma_start3A_138 : memref<1x128xi32, #tpu.memory_space<vmem>> -> memref<128xi32, #tpu.memory_space<vmem>>
        %dma_start3A_140 = arith.constant 0 : i32
        %dma_start3A_141 = arith.constant 0 : i32
        %dma_start3A_142 = tpu.memref_slice %arg3[%dma_start3A_140, %dma_start3A_141] : memref<10000x128xf32, #tpu.memory_space<hbm>> -> memref<10000x128xf32, #tpu.memory_space<hbm>>
        tpu.enqueue_indirect_dma source(%dma_start3A_142 : memref<10000x128xf32, #tpu.memory_space<hbm>>) target(%arg12 : memref<128x128xf32, #tpu.memory_space<vmem>>) offsets(%dma_start3A_139 : memref<128xi32, #tpu.memory_space<vmem>>) semaphore(%arg15 : memref<!tpu.dma_semaphore, #tpu.memory_space<semaphore_mem>>)
      } else {
      }
      %mul3A_120 = arith.constant 2 : i32
      %mul3A_121 = arith.muli %mul3A_120, %scan3A_108 : i32
      %add3A_122 = arith.constant 1 : i32
      %add3A_123 = arith.addi %mul3A_121, %add3A_122 : i32
      %dma_wait3A_124 = arith.constant 0 : i32
      %dma_wait3A_125 = tpu.memref_slice %arg10[%add3A_123, %dma_wait3A_124] : memref<40x128xi32, #tpu.memory_space<vmem>> -> memref<1x128xi32, #tpu.memory_space<vmem>>
      %dma_wait3A_126 = tpu.memref_squeeze %dma_wait3A_125 : memref<1x128xi32, #tpu.memory_space<vmem>> -> memref<128xi32, #tpu.memory_space<vmem>>
      %dma_wait3A_127 = arith.constant 0 : i32
      %dma_wait3A_128 = arith.constant 0 : i32
      %dma_wait3A_129 = tpu.memref_slice %arg3[%dma_wait3A_127, %dma_wait3A_128] : memref<10000x128xf32, #tpu.memory_space<hbm>> -> memref<10000x128xf32, #tpu.memory_space<hbm>>
      tpu.wait_indirect_dma semaphore(%arg16 : memref<!tpu.dma_semaphore, #tpu.memory_space<semaphore_mem>>) src(%dma_wait3A_129 : memref<10000x128xf32, #tpu.memory_space<hbm>>) dst(%arg13 : memref<128x128xf32, #tpu.memory_space<vmem>>)
      "tpu.region"() ({
        %run_scoped3A = tpu.sem_alloc : memref<!tpu.dma_semaphore, #tpu.memory_space<semaphore_mem>>
        %dma_start3A_135 = arith.constant 0 : i32
        %dma_start3A_136 = tpu.memref_slice %arg11[%add3A_123, %dma_start3A_135] : memref<40x128xi32, #tpu.memory_space<vmem>> -> memref<1x128xi32, #tpu.memory_space<vmem>>
        %dma_start3A_137 = tpu.memref_squeeze %dma_start3A_136 : memref<1x128xi32, #tpu.memory_space<vmem>> -> memref<128xi32, #tpu.memory_space<vmem>>
        %dma_start3A_138 = arith.constant 0 : i32
        %dma_start3A_139 = arith.constant 0 : i32
        %dma_start3A_140 = tpu.memref_slice %arg9[%dma_start3A_138, %dma_start3A_139] : memref<10240x128xf32, #tpu.memory_space<vmem_shared>> -> memref<10240x128xf32, #tpu.memory_space<vmem_shared>>
        tpu.enqueue_indirect_dma source(%arg13 : memref<128x128xf32, #tpu.memory_space<vmem>>) target(%dma_start3A_140 : memref<10240x128xf32, #tpu.memory_space<vmem_shared>>) offsets(%dma_start3A_137 : memref<128xi32, #tpu.memory_space<vmem>>) semaphore(%run_scoped3A : memref<!tpu.dma_semaphore, #tpu.memory_space<semaphore_mem>>) {add = true}
        %dma_wait3A_141 = arith.constant 0 : i32
        %dma_wait3A_142 = tpu.memref_slice %arg11[%add3A_123, %dma_wait3A_141] : memref<40x128xi32, #tpu.memory_space<vmem>> -> memref<1x128xi32, #tpu.memory_space<vmem>>
        %dma_wait3A_143 = tpu.memref_squeeze %dma_wait3A_142 : memref<1x128xi32, #tpu.memory_space<vmem>> -> memref<128xi32, #tpu.memory_space<vmem>>
        %dma_wait3A_144 = arith.constant 0 : i32
        %dma_wait3A_145 = arith.constant 0 : i32
        %dma_wait3A_146 = tpu.memref_slice %arg9[%dma_wait3A_144, %dma_wait3A_145] : memref<10240x128xf32, #tpu.memory_space<vmem_shared>> -> memref<10240x128xf32, #tpu.memory_space<vmem_shared>>
        tpu.wait_indirect_dma semaphore(%run_scoped3A : memref<!tpu.dma_semaphore, #tpu.memory_space<semaphore_mem>>) src(%arg13 : memref<128x128xf32, #tpu.memory_space<vmem>>) dst(%dma_wait3A_146 : memref<10240x128xf32, #tpu.memory_space<vmem_shared>>)
        tpu.yield
      }) : () -> ()
      %lt3A_130 = arith.constant 3 : i32
      %lt3A_131 = arith.cmpi slt, %scan3A_108, %lt3A_130 : i32
      %convert_element_type3A_132 = arith.extui %lt3A_131 : i1 to i32
      %cond3A_133 = arith.constant 0 : i32
      %cond3A_134 = arith.cmpi ne, %convert_element_type3A_132, %cond3A_133 : i32
      scf.if %cond3A_134 {
        %add3A_135 = arith.constant 2 : i32
        %add3A_136 = arith.addi %add3A_123, %add3A_135 : i32
        %dma_start3A_137 = arith.constant 0 : i32
        %dma_start3A_138 = tpu.memref_slice %arg10[%add3A_136, %dma_start3A_137] : memref<40x128xi32, #tpu.memory_space<vmem>> -> memref<1x128xi32, #tpu.memory_space<vmem>>
        %dma_start3A_139 = tpu.memref_squeeze %dma_start3A_138 : memref<1x128xi32, #tpu.memory_space<vmem>> -> memref<128xi32, #tpu.memory_space<vmem>>
        %dma_start3A_140 = arith.constant 0 : i32
        %dma_start3A_141 = arith.constant 0 : i32
        %dma_start3A_142 = tpu.memref_slice %arg3[%dma_start3A_140, %dma_start3A_141] : memref<10000x128xf32, #tpu.memory_space<hbm>> -> memref<10000x128xf32, #tpu.memory_space<hbm>>
        tpu.enqueue_indirect_dma source(%dma_start3A_142 : memref<10000x128xf32, #tpu.memory_space<hbm>>) target(%arg13 : memref<128x128xf32, #tpu.memory_space<vmem>>) offsets(%dma_start3A_139 : memref<128xi32, #tpu.memory_space<vmem>>) semaphore(%arg16 : memref<!tpu.dma_semaphore, #tpu.memory_space<semaphore_mem>>)
      } else {
      }
    }
    %scan3A_104 = arith.constant 4 : i32
    %barrier3A_105 = arith.constant 0 : index
    tpu.barrier barrier_id(%barrier3A_105)
    %add3A_106 = arith.constant 2 : i32
    %add3A_107 = arith.addi %add3A_106, %arg0 : i32
    "tpu.region"() ({
      %run_scoped3A = tpu.sem_alloc : memref<!tpu.dma_semaphore, #tpu.memory_space<semaphore_mem>>
      %dma_start3A_108 = arith.constant 0 : i32
      %dma_start3A_109 = tpu.memref_slice %arg8[%add3A_107, %mul3A_2, %dma_start3A_108] : memref<4x10240x128xf32, #tpu.memory_space<hbm>> -> memref<1x640x128xf32, #tpu.memory_space<hbm>>
      %dma_start3A_110 = tpu.memref_squeeze %dma_start3A_109 : memref<1x640x128xf32, #tpu.memory_space<hbm>> -> memref<640x128xf32, #tpu.memory_space<hbm>>
      %dma_start3A_111 = arith.constant 0 : i32
      %dma_start3A_112 = tpu.memref_slice %arg9[%mul3A_2, %dma_start3A_111] : memref<10240x128xf32, #tpu.memory_space<vmem_shared>> -> memref<640x128xf32, #tpu.memory_space<vmem_shared>>
      tpu.enqueue_dma source(%dma_start3A_112 : memref<640x128xf32, #tpu.memory_space<vmem_shared>>) target(%dma_start3A_110 : memref<640x128xf32, #tpu.memory_space<hbm>>) target_semaphore(%run_scoped3A : memref<!tpu.dma_semaphore, #tpu.memory_space<semaphore_mem>>)
      %dma_wait3A = arith.constant 0 : i32
      %dma_wait3A_113 = tpu.memref_slice %arg8[%add3A_107, %mul3A_2, %dma_wait3A] : memref<4x10240x128xf32, #tpu.memory_space<hbm>> -> memref<1x640x128xf32, #tpu.memory_space<hbm>>
      %dma_wait3A_114 = tpu.memref_squeeze %dma_wait3A_113 : memref<1x640x128xf32, #tpu.memory_space<hbm>> -> memref<640x128xf32, #tpu.memory_space<hbm>>
      %dma_wait3A_115 = arith.constant 0 : i32
      %dma_wait3A_116 = tpu.memref_slice %arg9[%mul3A_2, %dma_wait3A_115] : memref<10240x128xf32, #tpu.memory_space<vmem_shared>> -> memref<640x128xf32, #tpu.memory_space<vmem_shared>>
      tpu.wait_dma2 semaphore(%run_scoped3A : memref<!tpu.dma_semaphore, #tpu.memory_space<semaphore_mem>>) src(%dma_wait3A_116 : memref<640x128xf32, #tpu.memory_space<vmem_shared>>) dst(%dma_wait3A_114 : memref<640x128xf32, #tpu.memory_space<hbm>>)
      tpu.yield
    }) : () -> ()
    return
  }
}

module attributes {stable_mosaic.version = 14 : i64} {
  func.func @_dense_body(%arg0: memref<10000x128xf32, #tpu.memory_space<vmem>>, %arg1: memref<4x10240x128xf32, #tpu.memory_space<vmem>>, %arg2: memref<128x128xf32, #tpu.memory_space<vmem>>, %arg3: memref<1x128xf32, #tpu.memory_space<vmem>>, %arg4: memref<1x128xf32, #tpu.memory_space<vmem>>, %arg5: memref<1x128xf32, #tpu.memory_space<vmem>>, %arg6: memref<128x128xf32, #tpu.memory_space<vmem>>, %arg7: memref<1x128xf32, #tpu.memory_space<vmem>>, %arg8: memref<1x128xf32, #tpu.memory_space<vmem>>, %arg9: memref<1x128xf32, #tpu.memory_space<vmem>>, %arg10: memref<128x128xf32, #tpu.memory_space<vmem>>, %arg11: memref<1x128xf32, #tpu.memory_space<vmem>>, %arg12: memref<1x128xf32, #tpu.memory_space<vmem>>, %arg13: memref<1x128xf32, #tpu.memory_space<vmem>>, %arg14: memref<128x128xf32, #tpu.memory_space<vmem>>, %arg15: memref<1x128xf32, #tpu.memory_space<vmem>>, %arg16: memref<1x128xf32, #tpu.memory_space<vmem>>, %arg17: memref<1x128xf32, #tpu.memory_space<vmem>>, %arg18: memref<128x128xf32, #tpu.memory_space<vmem>>, %arg19: memref<128x128xf32, #tpu.memory_space<vmem>>, %arg20: memref<1x128xf32, #tpu.memory_space<vmem>>, %arg21: memref<1x128xf32, #tpu.memory_space<vmem>>, %arg22: memref<1x128xf32, #tpu.memory_space<vmem>>, %arg23: memref<1x1xf32, #tpu.memory_space<vmem>>, %arg24: memref<10000x128xf32, #tpu.memory_space<vmem>>) attributes {dimension_semantics = [], scalar_prefetch = 0 : i64, scratch_operands = 0 : i64, tpu.core_type = #tpu.core_type<tc>} {
    %get3A = arith.constant 0 : index
    %get3A_0 = arith.constant 0 : index
    %get3A_1 = vector.load %arg0[%get3A, %get3A_0] : memref<10000x128xf32, #tpu.memory_space<vmem>>, vector<10000x128xf32>
    %get3A_2 = arith.constant 0 : index
    %get3A_3 = arith.constant 0 : index
    %get3A_4 = vector.load %arg23[%get3A_2, %get3A_3] : memref<1x1xf32, #tpu.memory_space<vmem>>, vector<1x1xf32>
    %get3A_5 = vector.extract %get3A_4[0, 0] : f32 from vector<1x1xf32>
    %add3A = arith.constant 1.000000e+00 : f32
    %add3A_6 = arith.addf %add3A, %get3A_5 : f32
    %get3A_7 = arith.constant 0 : index
    %get3A_8 = arith.constant 0 : index
    %get3A_9 = arith.constant 0 : index
    %get3A_10 = vector.load %arg1[%get3A_7, %get3A_8, %get3A_9] : memref<4x10240x128xf32, #tpu.memory_space<vmem>>, vector<1x10000x128xf32>
    %get3A_11 = vector.shape_cast %get3A_10 : vector<1x10000x128xf32> to vector<10000x128xf32>
    %get3A_12 = arith.constant 1 : index
    %get3A_13 = arith.constant 0 : index
    %get3A_14 = arith.constant 0 : index
    %get3A_15 = vector.load %arg1[%get3A_12, %get3A_13, %get3A_14] : memref<4x10240x128xf32, #tpu.memory_space<vmem>>, vector<1x10000x128xf32>
    %get3A_16 = vector.shape_cast %get3A_15 : vector<1x10000x128xf32> to vector<10000x128xf32>
    %add3A_17 = arith.addf %get3A_11, %get3A_16 : vector<10000x128xf32>
    %get3A_18 = arith.constant 2 : index
    %get3A_19 = arith.constant 0 : index
    %get3A_20 = arith.constant 0 : index
    %get3A_21 = vector.load %arg1[%get3A_18, %get3A_19, %get3A_20] : memref<4x10240x128xf32, #tpu.memory_space<vmem>>, vector<1x10000x128xf32>
    %get3A_22 = vector.shape_cast %get3A_21 : vector<1x10000x128xf32> to vector<10000x128xf32>
    %get3A_23 = arith.constant 3 : index
    %get3A_24 = arith.constant 0 : index
    %get3A_25 = arith.constant 0 : index
    %get3A_26 = vector.load %arg1[%get3A_23, %get3A_24, %get3A_25] : memref<4x10240x128xf32, #tpu.memory_space<vmem>>, vector<1x10000x128xf32>
    %get3A_27 = vector.shape_cast %get3A_26 : vector<1x10000x128xf32> to vector<10000x128xf32>
    %add3A_28 = arith.addf %get3A_22, %get3A_27 : vector<10000x128xf32>
    %mul3A = vector.broadcast %add3A_6 : f32 to vector<10000x128xf32>
    %mul3A_29 = arith.mulf %mul3A, %get3A_1 : vector<10000x128xf32>
    %add3A_30 = arith.addf %add3A_17, %mul3A_29 : vector<10000x128xf32>
    %get3A_31 = arith.constant 0 : index
    %get3A_32 = arith.constant 0 : index
    %get3A_33 = vector.load %arg2[%get3A_31, %get3A_32] : memref<128x128xf32, #tpu.memory_space<vmem>>, vector<128x128xf32>
    %get3A_34 = arith.constant 0 : index
    %get3A_35 = arith.constant 0 : index
    %get3A_36 = vector.load %arg3[%get3A_34, %get3A_35] : memref<1x128xf32, #tpu.memory_space<vmem>>, vector<1x128xf32>
    %get3A_37 = arith.constant 0 : index
    %get3A_38 = arith.constant 0 : index
    %get3A_39 = vector.load %arg4[%get3A_37, %get3A_38] : memref<1x128xf32, #tpu.memory_space<vmem>>, vector<1x128xf32>
    %get3A_40 = arith.constant 0 : index
    %get3A_41 = arith.constant 0 : index
    %get3A_42 = vector.load %arg5[%get3A_40, %get3A_41] : memref<1x128xf32, #tpu.memory_space<vmem>>, vector<1x128xf32>
    %get3A_43 = arith.constant 0 : index
    %get3A_44 = arith.constant 0 : index
    %get3A_45 = vector.load %arg6[%get3A_43, %get3A_44] : memref<128x128xf32, #tpu.memory_space<vmem>>, vector<128x128xf32>
    %get3A_46 = arith.constant 0 : index
    %get3A_47 = arith.constant 0 : index
    %get3A_48 = vector.load %arg7[%get3A_46, %get3A_47] : memref<1x128xf32, #tpu.memory_space<vmem>>, vector<1x128xf32>
    %get3A_49 = arith.constant 0 : index
    %get3A_50 = arith.constant 0 : index
    %get3A_51 = vector.load %arg8[%get3A_49, %get3A_50] : memref<1x128xf32, #tpu.memory_space<vmem>>, vector<1x128xf32>
    %get3A_52 = arith.constant 0 : index
    %get3A_53 = arith.constant 0 : index
    %get3A_54 = vector.load %arg9[%get3A_52, %get3A_53] : memref<1x128xf32, #tpu.memory_space<vmem>>, vector<1x128xf32>
    %dot_general3A = arith.constant dense<0.000000e+00> : vector<10000x128xf32>
    %dot_general3A_55 = tpu.matmul %add3A_30, %get3A_33, %dot_general3A {dimension_numbers = #tpu.dot_dimension_numbers<[1], [0], [0], [1], [0, 0, 1, 1], [], []>, transpose_lhs_hint = false} : vector<10000x128xf32>, vector<128x128xf32>, vector<10000x128xf32> -> vector<10000x128xf32>
    %add3A_56 = vector.broadcast %get3A_36 : vector<1x128xf32> to vector<10000x128xf32>
    %add3A_57 = arith.addf %dot_general3A_55, %add3A_56 : vector<10000x128xf32>
    %reduce_sum3A = arith.constant dense<0.000000e+00> : vector<128xf32>
    %reduce_sum3A_58 = vector.multi_reduction <add>, %add3A_57, %reduce_sum3A [0] : vector<10000x128xf32> to vector<128xf32>
    %broadcast_in_dim3A = vector.shape_cast %reduce_sum3A_58 : vector<128xf32> to vector<1x128xf32>
    %div3A = arith.constant 1.000000e+04 : f32
    %div3A_59 = vector.broadcast %div3A : f32 to vector<1x128xf32>
    %div3A_60 = arith.divf %broadcast_in_dim3A, %div3A_59 : vector<1x128xf32>
    %sub3A = vector.broadcast %div3A_60 : vector<1x128xf32> to vector<10000x128xf32>
    %sub3A_61 = arith.subf %add3A_57, %sub3A : vector<10000x128xf32>
    %integer_pow3A = arith.mulf %sub3A_61, %sub3A_61 : vector<10000x128xf32>
    %reduce_sum3A_62 = arith.constant dense<0.000000e+00> : vector<128xf32>
    %reduce_sum3A_63 = vector.multi_reduction <add>, %integer_pow3A, %reduce_sum3A_62 [0] : vector<10000x128xf32> to vector<128xf32>
    %broadcast_in_dim3A_64 = vector.shape_cast %reduce_sum3A_63 : vector<128xf32> to vector<1x128xf32>
    %div3A_65 = arith.constant 1.000000e+04 : f32
    %div3A_66 = vector.broadcast %div3A_65 : f32 to vector<1x128xf32>
    %div3A_67 = arith.divf %broadcast_in_dim3A_64, %div3A_66 : vector<1x128xf32>
    %sub3A_68 = vector.broadcast %div3A_60 : vector<1x128xf32> to vector<10000x128xf32>
    %sub3A_69 = arith.subf %add3A_57, %sub3A_68 : vector<10000x128xf32>
    %mul3A_70 = vector.broadcast %get3A_39 : vector<1x128xf32> to vector<10000x128xf32>
    %mul3A_71 = arith.mulf %mul3A_70, %sub3A_69 : vector<10000x128xf32>
    %add3A_72 = arith.constant 9.99999974E-6 : f32
    %add3A_73 = vector.broadcast %add3A_72 : f32 to vector<1x128xf32>
    %add3A_74 = arith.addf %div3A_67, %add3A_73 : vector<1x128xf32>
    %sqrt3A = math.sqrt %add3A_74 : vector<1x128xf32>
    %div3A_75 = vector.broadcast %sqrt3A : vector<1x128xf32> to vector<10000x128xf32>
    %div3A_76 = arith.divf %mul3A_71, %div3A_75 : vector<10000x128xf32>
    %add3A_77 = vector.broadcast %get3A_42 : vector<1x128xf32> to vector<10000x128xf32>
    %add3A_78 = arith.addf %div3A_76, %add3A_77 : vector<10000x128xf32>
    %max3A = arith.constant 0.000000e+00 : f32
    %max3A_79 = vector.broadcast %max3A : f32 to vector<10000x128xf32>
    %max3A_80 = arith.maximumf %add3A_78, %max3A_79 : vector<10000x128xf32>
    %dot_general3A_81 = arith.constant dense<0.000000e+00> : vector<10000x128xf32>
    %dot_general3A_82 = tpu.matmul %max3A_80, %get3A_45, %dot_general3A_81 {dimension_numbers = #tpu.dot_dimension_numbers<[1], [0], [0], [1], [0, 0, 1, 1], [], []>, transpose_lhs_hint = false} : vector<10000x128xf32>, vector<128x128xf32>, vector<10000x128xf32> -> vector<10000x128xf32>
    %add3A_83 = vector.broadcast %get3A_48 : vector<1x128xf32> to vector<10000x128xf32>
    %add3A_84 = arith.addf %dot_general3A_82, %add3A_83 : vector<10000x128xf32>
    %reduce_sum3A_85 = arith.constant dense<0.000000e+00> : vector<128xf32>
    %reduce_sum3A_86 = vector.multi_reduction <add>, %add3A_84, %reduce_sum3A_85 [0] : vector<10000x128xf32> to vector<128xf32>
    %broadcast_in_dim3A_87 = vector.shape_cast %reduce_sum3A_86 : vector<128xf32> to vector<1x128xf32>
    %div3A_88 = arith.constant 1.000000e+04 : f32
    %div3A_89 = vector.broadcast %div3A_88 : f32 to vector<1x128xf32>
    %div3A_90 = arith.divf %broadcast_in_dim3A_87, %div3A_89 : vector<1x128xf32>
    %sub3A_91 = vector.broadcast %div3A_90 : vector<1x128xf32> to vector<10000x128xf32>
    %sub3A_92 = arith.subf %add3A_84, %sub3A_91 : vector<10000x128xf32>
    %integer_pow3A_93 = arith.mulf %sub3A_92, %sub3A_92 : vector<10000x128xf32>
    %reduce_sum3A_94 = arith.constant dense<0.000000e+00> : vector<128xf32>
    %reduce_sum3A_95 = vector.multi_reduction <add>, %integer_pow3A_93, %reduce_sum3A_94 [0] : vector<10000x128xf32> to vector<128xf32>
    %broadcast_in_dim3A_96 = vector.shape_cast %reduce_sum3A_95 : vector<128xf32> to vector<1x128xf32>
    %div3A_97 = arith.constant 1.000000e+04 : f32
    %div3A_98 = vector.broadcast %div3A_97 : f32 to vector<1x128xf32>
    %div3A_99 = arith.divf %broadcast_in_dim3A_96, %div3A_98 : vector<1x128xf32>
    %sub3A_100 = vector.broadcast %div3A_90 : vector<1x128xf32> to vector<10000x128xf32>
    %sub3A_101 = arith.subf %add3A_84, %sub3A_100 : vector<10000x128xf32>
    %mul3A_102 = vector.broadcast %get3A_51 : vector<1x128xf32> to vector<10000x128xf32>
    %mul3A_103 = arith.mulf %mul3A_102, %sub3A_101 : vector<10000x128xf32>
    %add3A_104 = arith.constant 9.99999974E-6 : f32
    %add3A_105 = vector.broadcast %add3A_104 : f32 to vector<1x128xf32>
    %add3A_106 = arith.addf %div3A_99, %add3A_105 : vector<1x128xf32>
    %sqrt3A_107 = math.sqrt %add3A_106 : vector<1x128xf32>
    %div3A_108 = vector.broadcast %sqrt3A_107 : vector<1x128xf32> to vector<10000x128xf32>
    %div3A_109 = arith.divf %mul3A_103, %div3A_108 : vector<10000x128xf32>
    %add3A_110 = vector.broadcast %get3A_54 : vector<1x128xf32> to vector<10000x128xf32>
    %add3A_111 = arith.addf %div3A_109, %add3A_110 : vector<10000x128xf32>
    %max3A_112 = arith.constant 0.000000e+00 : f32
    %max3A_113 = vector.broadcast %max3A_112 : f32 to vector<10000x128xf32>
    %max3A_114 = arith.maximumf %add3A_111, %max3A_113 : vector<10000x128xf32>
    %mul3A_115 = vector.broadcast %add3A_6 : f32 to vector<10000x128xf32>
    %mul3A_116 = arith.mulf %mul3A_115, %get3A_1 : vector<10000x128xf32>
    %add3A_117 = arith.addf %add3A_28, %mul3A_116 : vector<10000x128xf32>
    %get3A_118 = arith.constant 0 : index
    %get3A_119 = arith.constant 0 : index
    %get3A_120 = vector.load %arg10[%get3A_118, %get3A_119] : memref<128x128xf32, #tpu.memory_space<vmem>>, vector<128x128xf32>
    %get3A_121 = arith.constant 0 : index
    %get3A_122 = arith.constant 0 : index
    %get3A_123 = vector.load %arg11[%get3A_121, %get3A_122] : memref<1x128xf32, #tpu.memory_space<vmem>>, vector<1x128xf32>
    %get3A_124 = arith.constant 0 : index
    %get3A_125 = arith.constant 0 : index
    %get3A_126 = vector.load %arg12[%get3A_124, %get3A_125] : memref<1x128xf32, #tpu.memory_space<vmem>>, vector<1x128xf32>
    %get3A_127 = arith.constant 0 : index
    %get3A_128 = arith.constant 0 : index
    %get3A_129 = vector.load %arg13[%get3A_127, %get3A_128] : memref<1x128xf32, #tpu.memory_space<vmem>>, vector<1x128xf32>
    %get3A_130 = arith.constant 0 : index
    %get3A_131 = arith.constant 0 : index
    %get3A_132 = vector.load %arg14[%get3A_130, %get3A_131] : memref<128x128xf32, #tpu.memory_space<vmem>>, vector<128x128xf32>
    %get3A_133 = arith.constant 0 : index
    %get3A_134 = arith.constant 0 : index
    %get3A_135 = vector.load %arg15[%get3A_133, %get3A_134] : memref<1x128xf32, #tpu.memory_space<vmem>>, vector<1x128xf32>
    %get3A_136 = arith.constant 0 : index
    %get3A_137 = arith.constant 0 : index
    %get3A_138 = vector.load %arg16[%get3A_136, %get3A_137] : memref<1x128xf32, #tpu.memory_space<vmem>>, vector<1x128xf32>
    %get3A_139 = arith.constant 0 : index
    %get3A_140 = arith.constant 0 : index
    %get3A_141 = vector.load %arg17[%get3A_139, %get3A_140] : memref<1x128xf32, #tpu.memory_space<vmem>>, vector<1x128xf32>
    %dot_general3A_142 = arith.constant dense<0.000000e+00> : vector<10000x128xf32>
    %dot_general3A_143 = tpu.matmul %add3A_117, %get3A_120, %dot_general3A_142 {dimension_numbers = #tpu.dot_dimension_numbers<[1], [0], [0], [1], [0, 0, 1, 1], [], []>, transpose_lhs_hint = false} : vector<10000x128xf32>, vector<128x128xf32>, vector<10000x128xf32> -> vector<10000x128xf32>
    %add3A_144 = vector.broadcast %get3A_123 : vector<1x128xf32> to vector<10000x128xf32>
    %add3A_145 = arith.addf %dot_general3A_143, %add3A_144 : vector<10000x128xf32>
    %reduce_sum3A_146 = arith.constant dense<0.000000e+00> : vector<128xf32>
    %reduce_sum3A_147 = vector.multi_reduction <add>, %add3A_145, %reduce_sum3A_146 [0] : vector<10000x128xf32> to vector<128xf32>
    %broadcast_in_dim3A_148 = vector.shape_cast %reduce_sum3A_147 : vector<128xf32> to vector<1x128xf32>
    %div3A_149 = arith.constant 1.000000e+04 : f32
    %div3A_150 = vector.broadcast %div3A_149 : f32 to vector<1x128xf32>
    %div3A_151 = arith.divf %broadcast_in_dim3A_148, %div3A_150 : vector<1x128xf32>
    %sub3A_152 = vector.broadcast %div3A_151 : vector<1x128xf32> to vector<10000x128xf32>
    %sub3A_153 = arith.subf %add3A_145, %sub3A_152 : vector<10000x128xf32>
    %integer_pow3A_154 = arith.mulf %sub3A_153, %sub3A_153 : vector<10000x128xf32>
    %reduce_sum3A_155 = arith.constant dense<0.000000e+00> : vector<128xf32>
    %reduce_sum3A_156 = vector.multi_reduction <add>, %integer_pow3A_154, %reduce_sum3A_155 [0] : vector<10000x128xf32> to vector<128xf32>
    %broadcast_in_dim3A_157 = vector.shape_cast %reduce_sum3A_156 : vector<128xf32> to vector<1x128xf32>
    %div3A_158 = arith.constant 1.000000e+04 : f32
    %div3A_159 = vector.broadcast %div3A_158 : f32 to vector<1x128xf32>
    %div3A_160 = arith.divf %broadcast_in_dim3A_157, %div3A_159 : vector<1x128xf32>
    %sub3A_161 = vector.broadcast %div3A_151 : vector<1x128xf32> to vector<10000x128xf32>
    %sub3A_162 = arith.subf %add3A_145, %sub3A_161 : vector<10000x128xf32>
    %mul3A_163 = vector.broadcast %get3A_126 : vector<1x128xf32> to vector<10000x128xf32>
    %mul3A_164 = arith.mulf %mul3A_163, %sub3A_162 : vector<10000x128xf32>
    %add3A_165 = arith.constant 9.99999974E-6 : f32
    %add3A_166 = vector.broadcast %add3A_165 : f32 to vector<1x128xf32>
    %add3A_167 = arith.addf %div3A_160, %add3A_166 : vector<1x128xf32>
    %sqrt3A_168 = math.sqrt %add3A_167 : vector<1x128xf32>
    %div3A_169 = vector.broadcast %sqrt3A_168 : vector<1x128xf32> to vector<10000x128xf32>
    %div3A_170 = arith.divf %mul3A_164, %div3A_169 : vector<10000x128xf32>
    %add3A_171 = vector.broadcast %get3A_129 : vector<1x128xf32> to vector<10000x128xf32>
    %add3A_172 = arith.addf %div3A_170, %add3A_171 : vector<10000x128xf32>
    %max3A_173 = arith.constant 0.000000e+00 : f32
    %max3A_174 = vector.broadcast %max3A_173 : f32 to vector<10000x128xf32>
    %max3A_175 = arith.maximumf %add3A_172, %max3A_174 : vector<10000x128xf32>
    %dot_general3A_176 = arith.constant dense<0.000000e+00> : vector<10000x128xf32>
    %dot_general3A_177 = tpu.matmul %max3A_175, %get3A_132, %dot_general3A_176 {dimension_numbers = #tpu.dot_dimension_numbers<[1], [0], [0], [1], [0, 0, 1, 1], [], []>, transpose_lhs_hint = false} : vector<10000x128xf32>, vector<128x128xf32>, vector<10000x128xf32> -> vector<10000x128xf32>
    %add3A_178 = vector.broadcast %get3A_135 : vector<1x128xf32> to vector<10000x128xf32>
    %add3A_179 = arith.addf %dot_general3A_177, %add3A_178 : vector<10000x128xf32>
    %reduce_sum3A_180 = arith.constant dense<0.000000e+00> : vector<128xf32>
    %reduce_sum3A_181 = vector.multi_reduction <add>, %add3A_179, %reduce_sum3A_180 [0] : vector<10000x128xf32> to vector<128xf32>
    %broadcast_in_dim3A_182 = vector.shape_cast %reduce_sum3A_181 : vector<128xf32> to vector<1x128xf32>
    %div3A_183 = arith.constant 1.000000e+04 : f32
    %div3A_184 = vector.broadcast %div3A_183 : f32 to vector<1x128xf32>
    %div3A_185 = arith.divf %broadcast_in_dim3A_182, %div3A_184 : vector<1x128xf32>
    %sub3A_186 = vector.broadcast %div3A_185 : vector<1x128xf32> to vector<10000x128xf32>
    %sub3A_187 = arith.subf %add3A_179, %sub3A_186 : vector<10000x128xf32>
    %integer_pow3A_188 = arith.mulf %sub3A_187, %sub3A_187 : vector<10000x128xf32>
    %reduce_sum3A_189 = arith.constant dense<0.000000e+00> : vector<128xf32>
    %reduce_sum3A_190 = vector.multi_reduction <add>, %integer_pow3A_188, %reduce_sum3A_189 [0] : vector<10000x128xf32> to vector<128xf32>
    %broadcast_in_dim3A_191 = vector.shape_cast %reduce_sum3A_190 : vector<128xf32> to vector<1x128xf32>
    %div3A_192 = arith.constant 1.000000e+04 : f32
    %div3A_193 = vector.broadcast %div3A_192 : f32 to vector<1x128xf32>
    %div3A_194 = arith.divf %broadcast_in_dim3A_191, %div3A_193 : vector<1x128xf32>
    %sub3A_195 = vector.broadcast %div3A_185 : vector<1x128xf32> to vector<10000x128xf32>
    %sub3A_196 = arith.subf %add3A_179, %sub3A_195 : vector<10000x128xf32>
    %mul3A_197 = vector.broadcast %get3A_138 : vector<1x128xf32> to vector<10000x128xf32>
    %mul3A_198 = arith.mulf %mul3A_197, %sub3A_196 : vector<10000x128xf32>
    %add3A_199 = arith.constant 9.99999974E-6 : f32
    %add3A_200 = vector.broadcast %add3A_199 : f32 to vector<1x128xf32>
    %add3A_201 = arith.addf %div3A_194, %add3A_200 : vector<1x128xf32>
    %sqrt3A_202 = math.sqrt %add3A_201 : vector<1x128xf32>
    %div3A_203 = vector.broadcast %sqrt3A_202 : vector<1x128xf32> to vector<10000x128xf32>
    %div3A_204 = arith.divf %mul3A_198, %div3A_203 : vector<10000x128xf32>
    %add3A_205 = vector.broadcast %get3A_141 : vector<1x128xf32> to vector<10000x128xf32>
    %add3A_206 = arith.addf %div3A_204, %add3A_205 : vector<10000x128xf32>
    %max3A_207 = arith.constant 0.000000e+00 : f32
    %max3A_208 = vector.broadcast %max3A_207 : f32 to vector<10000x128xf32>
    %max3A_209 = arith.maximumf %add3A_206, %max3A_208 : vector<10000x128xf32>
    %get3A_210 = arith.constant 0 : index
    %get3A_211 = arith.constant 0 : index
    %get3A_212 = vector.load %arg18[%get3A_210, %get3A_211] : memref<128x128xf32, #tpu.memory_space<vmem>>, vector<128x128xf32>
    %dot_general3A_213 = arith.constant dense<0.000000e+00> : vector<10000x128xf32>
    %dot_general3A_214 = tpu.matmul %max3A_114, %get3A_212, %dot_general3A_213 {dimension_numbers = #tpu.dot_dimension_numbers<[1], [0], [0], [1], [0, 0, 1, 1], [], []>, transpose_lhs_hint = false} : vector<10000x128xf32>, vector<128x128xf32>, vector<10000x128xf32> -> vector<10000x128xf32>
    %get3A_215 = arith.constant 0 : index
    %get3A_216 = arith.constant 0 : index
    %get3A_217 = vector.load %arg19[%get3A_215, %get3A_216] : memref<128x128xf32, #tpu.memory_space<vmem>>, vector<128x128xf32>
    %dot_general3A_218 = arith.constant dense<0.000000e+00> : vector<10000x128xf32>
    %dot_general3A_219 = tpu.matmul %max3A_209, %get3A_217, %dot_general3A_218 {dimension_numbers = #tpu.dot_dimension_numbers<[1], [0], [0], [1], [0, 0, 1, 1], [], []>, transpose_lhs_hint = false} : vector<10000x128xf32>, vector<128x128xf32>, vector<10000x128xf32> -> vector<10000x128xf32>
    %add3A_220 = arith.addf %dot_general3A_214, %dot_general3A_219 : vector<10000x128xf32>
    %get3A_221 = arith.constant 0 : index
    %get3A_222 = arith.constant 0 : index
    %get3A_223 = vector.load %arg20[%get3A_221, %get3A_222] : memref<1x128xf32, #tpu.memory_space<vmem>>, vector<1x128xf32>
    %add3A_224 = vector.broadcast %get3A_223 : vector<1x128xf32> to vector<10000x128xf32>
    %add3A_225 = arith.addf %add3A_220, %add3A_224 : vector<10000x128xf32>
    %get3A_226 = arith.constant 0 : index
    %get3A_227 = arith.constant 0 : index
    %get3A_228 = vector.load %arg21[%get3A_226, %get3A_227] : memref<1x128xf32, #tpu.memory_space<vmem>>, vector<1x128xf32>
    %get3A_229 = arith.constant 0 : index
    %get3A_230 = arith.constant 0 : index
    %get3A_231 = vector.load %arg22[%get3A_229, %get3A_230] : memref<1x128xf32, #tpu.memory_space<vmem>>, vector<1x128xf32>
    %reduce_sum3A_232 = arith.constant dense<0.000000e+00> : vector<128xf32>
    %reduce_sum3A_233 = vector.multi_reduction <add>, %add3A_225, %reduce_sum3A_232 [0] : vector<10000x128xf32> to vector<128xf32>
    %broadcast_in_dim3A_234 = vector.shape_cast %reduce_sum3A_233 : vector<128xf32> to vector<1x128xf32>
    %div3A_235 = arith.constant 1.000000e+04 : f32
    %div3A_236 = vector.broadcast %div3A_235 : f32 to vector<1x128xf32>
    %div3A_237 = arith.divf %broadcast_in_dim3A_234, %div3A_236 : vector<1x128xf32>
    %sub3A_238 = vector.broadcast %div3A_237 : vector<1x128xf32> to vector<10000x128xf32>
    %sub3A_239 = arith.subf %add3A_225, %sub3A_238 : vector<10000x128xf32>
    %integer_pow3A_240 = arith.mulf %sub3A_239, %sub3A_239 : vector<10000x128xf32>
    %reduce_sum3A_241 = arith.constant dense<0.000000e+00> : vector<128xf32>
    %reduce_sum3A_242 = vector.multi_reduction <add>, %integer_pow3A_240, %reduce_sum3A_241 [0] : vector<10000x128xf32> to vector<128xf32>
    %broadcast_in_dim3A_243 = vector.shape_cast %reduce_sum3A_242 : vector<128xf32> to vector<1x128xf32>
    %div3A_244 = arith.constant 1.000000e+04 : f32
    %div3A_245 = vector.broadcast %div3A_244 : f32 to vector<1x128xf32>
    %div3A_246 = arith.divf %broadcast_in_dim3A_243, %div3A_245 : vector<1x128xf32>
    %sub3A_247 = vector.broadcast %div3A_237 : vector<1x128xf32> to vector<10000x128xf32>
    %sub3A_248 = arith.subf %add3A_225, %sub3A_247 : vector<10000x128xf32>
    %mul3A_249 = vector.broadcast %get3A_228 : vector<1x128xf32> to vector<10000x128xf32>
    %mul3A_250 = arith.mulf %mul3A_249, %sub3A_248 : vector<10000x128xf32>
    %add3A_251 = arith.constant 9.99999974E-6 : f32
    %add3A_252 = vector.broadcast %add3A_251 : f32 to vector<1x128xf32>
    %add3A_253 = arith.addf %div3A_246, %add3A_252 : vector<1x128xf32>
    %sqrt3A_254 = math.sqrt %add3A_253 : vector<1x128xf32>
    %div3A_255 = vector.broadcast %sqrt3A_254 : vector<1x128xf32> to vector<10000x128xf32>
    %div3A_256 = arith.divf %mul3A_250, %div3A_255 : vector<10000x128xf32>
    %add3A_257 = vector.broadcast %get3A_231 : vector<1x128xf32> to vector<10000x128xf32>
    %add3A_258 = arith.addf %div3A_256, %add3A_257 : vector<10000x128xf32>
    %max3A_259 = arith.constant 0.000000e+00 : f32
    %max3A_260 = vector.broadcast %max3A_259 : f32 to vector<10000x128xf32>
    %max3A_261 = arith.maximumf %add3A_258, %max3A_260 : vector<10000x128xf32>
    %swap3A = arith.constant 0 : index
    %swap3A_262 = arith.constant 0 : index
    %swap3A_263 = vector.load %arg24[%swap3A, %swap3A_262] : memref<10000x128xf32, #tpu.memory_space<vmem>>, vector<10000x128xf32>
    tpu.vector_store %arg24[%swap3A, %swap3A_262], %max3A_261 {strides = array<i32>} : memref<10000x128xf32, #tpu.memory_space<vmem>>, vector<10000x128xf32>,
    return
  }
}

</mosaic_0001>

<sc_bundles>
// kernel: kernel.4.cloned.1.call-start
scs
__scs_entry_jumppad:
0x0: {  	(pc) =	sbr.rel $0x88, $3  }
0x1: {  	(tag) =	ssettag $0x0;
	lr =	simm.s32 $0x1  }
0x2: {  	[smem:$0x3F88] =	sst lr;
	_ =	strace $0xD0000000  }
0x3: {  	_ = 	snop  }
0x4: {  	_ = 	snop  }
0x5: {  	_ = 	snop  }
0x6: {  	_ = 	snop  }
0x7: {  	_ = 	snop  }
__scs_overlays_trampoline_lowered:
0x8: {  	[smem:$0x3F97] =	sst s0  }
0x9: {  	[smem:$0x3F98] =	sst s1  }
0xa: {  	[smem:$0x3F99] =	sst s2  }
0xb: {  	[smem:$0x3F9A] =	sst s3  }
0xc: {  	[smem:$0x3F9B] =	sst s4  }
0xd: {  	[smem:$0x3F9C] =	sst s5  }
0xe: {  	[smem:$0x3F9D] =	sst s6  }
0xf: {  	[smem:$0x3F9E] =	sst s7  }
0x10: {  	[smem:$0x3F9F] =	sst s8  }
0x11: {  	[smem:$0x3FA0] =	sst s9;
	s0 =	simm.s32 @!p0 $0x0  }
0x12: {  	s1 =	sld [smem:$0x3F86];
	s0 =	simm.s32 @p0 $0x1  }
0x13: {  	[smem:$0x3FA1] =	sst s0;
	s0 =	simm.s32 @!p1 $0x0  }
0x14: {  	s2 =	sld [smem:$0x3F85];
	s0 =	simm.s32 @p1 $0x1  }
0x15: {  	[smem:$0x3FA2] =	sst s0;
	s0 =	simm.s32 @!p2 $0x0  }
0x16: {  	s3 =	sld [smem:$0x3FDB];
	s0 =	simm.s32 @p2 $0x1  }
0x17: {  	s4 =	simm.s32 $0x1BF5;
	[smem:$0x3FA4] =	sst s0  }
0x18: {  	s0 =	sld [smem:$0x3F87];
	_ =	swait.ge [sflag:s4], $0x0  }
0x19: {  	s7 =	sld [smem:$0x3F88]  }
0x1a: {  	s8 =	sadd.s32 $0xFFFFE003, lr  }
0x1b: {  	s9 =	sadd.s32 $0xFFFFFEF7, lr;
	s5 =	simm.s32 $0xFFFFFFFF;
	p2 =	slt.u32 s8, $0xFFFFF086  }
0x1c: {  	p1 =	slt.u32 s9, $0xF7A;
	s5 =	simm.s32 @!p2 $0x0  }
0x1d: {  	s5 =	simm.s32 @p1 $0x1;
	p0 =	seq.s32 s7, s2  }
0x1e: {  	s7 =	smul.u32 @!p0 $0xF7A, s2;
	p2 =	seq.s32 @!p0 s5, $0x0  }
0x1f: {  	s9 =	smul.u32 $0xF7A, s1;
	s8 =	simm.s32 @!p0 $0x1BF5;
	p2 =	por !p2, p0  }
0x20: {  	[sflag:s8] =	ssyncset.s32 @!p0 $0xFFFFF086;
	s6 =	sadd.s32 @!p0 s3, s7;
	s7 =	simm.s32 @!p0 $0x108  }
0x21: {  	s3 =	sadd.s32 s3, s9;
	s6 =	sadd.s32 @!p0 $0x88, s6;
	s7 =	simm.s32 @p2 $0x1082  }
0x22: {  	[simem:s7], [sflag:s8] =	dma.local @!p0 [hbm:s6], $0xF7A  }
0x23: {  	s9 =	sor.u32 $0xD0000000, s2;
	s6 =	simm.s32 $0x108;
	_ =	swait.ge @!p0 [sflag:s8], $0x0  }
0x24: {  	s3 =	sadd.s32 $0x88, s3;
	s6 =	simm.s32 @!p1 $0x1082;
	[sflag:s4] =	ssyncset.s32 $0xFFFFF086  }
0x25: {  	[simem:s6], [sflag:s4] =	dma.local [hbm:s3], $0xF7A  }
0x26: {  	[smem:$0x3F88] =	sst s1;
	(tag) =	ssettag s2;
	_ =	strace s9  }
0x27: {  	s1 =	sld [smem:$0x3F98]  }
0x28: {  	s2 =	sld [smem:$0x3F99]  }
0x29: {  	s4 =	sld [smem:$0x3F9B]  }
0x2a: {  	p0 =	seq.s32 s5, $0x0;
	s5 =	sld [smem:$0x3F9C]  }
0x2b: {  	s6 =	sld [smem:$0x3F9D]  }
0x2c: {  	s7 =	sld [smem:$0x3F9E]  }
0x2d: {  	s3 =	simm.s32 $0x108;
	s8 =	sld [smem:$0x3F9F]  }
0x2e: {  	s3 =	simm.s32 @!p0 $0x1082;
	s9 =	sld [smem:$0x3FA0]  }
0x2f: {  	lr =	sadd.s32 s0, s3;
	s0 =	sld [smem:$0x3F97]  }
0x30: {  	s3 =	sld [smem:$0x3F9A]  }
0x31: {  	[smem:$0x3FA3] =	sst s10  }
0x32: {  	s10 =	sld [smem:$0x3FA1];
	_ =	sdelay $0x3  }
0x33: {  	p0 =	seq.s32 s10, $0x1;
	s10 =	sld [smem:$0x3FA3];
	_ =	sdelay $0x3  }
0x34: {  	[smem:$0x3FA3] =	sst s10  }
0x35: {  	s10 =	sld [smem:$0x3FA2];
	_ =	sdelay $0x3  }
0x36: {  	p1 =	seq.s32 s10, $0x1;
	s10 =	sld [smem:$0x3FA3];
	_ =	sdelay $0x3  }
0x37: {  	[smem:$0x3FA3] =	sst s10  }
0x38: {  	s10 =	sld [smem:$0x3FA4]  }
0x39: {  	_ = 	snop;
	(pc) =	sbr.ind lr, $3  }
0x3a: {  	_ = 	snop  }
0x3b: {  	_ = 	snop  }
0x3c: {  	p2 =	seq.s32 s10, $0x1;
	s10 =	sld [smem:$0x3FA3]  }
0x3d: {  	_ =	shalt  }
0x3e: {  	_ =	shalt  }
0x3f: {  	_ =	shalt  }
0x40: {  	_ =	shalt  }
0x41: {  	_ =	shalt  }
0x42: {  	_ =	shalt  }
0x43: {  	_ =	shalt  }
0x44: {  	_ =	shalt  }
0x45: {  	_ =	shalt  }
0x46: {  	_ =	shalt  }
0x47: {  	_ =	shalt  }
0x48: {  	_ =	shalt  }
0x49: {  	_ =	shalt  }
0x4a: {  	_ =	shalt  }
0x4b: {  	_ =	shalt  }
0x4c: {  	_ =	shalt  }
0x4d: {  	_ =	shalt  }
0x4e: {  	_ =	shalt  }
0x4f: {  	_ =	shalt  }
0x50: {  	_ =	shalt  }
0x51: {  	_ =	shalt  }
0x52: {  	_ =	shalt  }
0x53: {  	_ =	shalt  }
0x54: {  	_ =	shalt  }
0x55: {  	_ =	shalt  }
0x56: {  	_ =	shalt  }
0x57: {  	_ =	shalt  }
0x58: {  	_ =	shalt  }
0x59: {  	_ =	shalt  }
0x5a: {  	_ =	shalt  }
0x5b: {  	_ =	shalt  }
0x5c: {  	_ =	shalt  }
0x5d: {  	_ =	shalt  }
0x5e: {  	_ =	shalt  }
0x5f: {  	_ =	shalt  }
0x60: {  	_ =	shalt  }
0x61: {  	_ =	shalt  }
0x62: {  	_ =	shalt  }
0x63: {  	_ =	shalt  }
0x64: {  	_ =	shalt  }
0x65: {  	_ =	shalt  }
0x66: {  	_ =	shalt  }
0x67: {  	_ =	shalt  }
0x68: {  	_ =	shalt  }
0x69: {  	_ =	shalt  }
0x6a: {  	_ =	shalt  }
0x6b: {  	_ =	shalt  }
0x6c: {  	_ =	shalt  }
0x6d: {  	_ =	shalt  }
0x6e: {  	_ =	shalt  }
0x6f: {  	_ =	shalt  }
0x70: {  	_ =	shalt  }
0x71: {  	_ =	shalt  }
0x72: {  	_ =	shalt  }
0x73: {  	_ =	shalt  }
0x74: {  	_ =	shalt  }
0x75: {  	_ =	shalt  }
0x76: {  	_ =	shalt  }
0x77: {  	_ =	shalt  }
0x78: {  	_ =	shalt  }
0x79: {  	_ =	shalt  }
0x7a: {  	_ =	shalt  }
0x7b: {  	_ =	shalt  }
0x7c: {  	_ =	shalt  }
0x7d: {  	_ =	shalt  }
0x7e: {  	_ =	shalt  }
0x7f: {  	_ =	shalt  }
0x80: {  	_ =	shalt  }
0x81: {  	_ =	shalt  }
0x82: {  	_ =	shalt  }
0x83: {  	_ =	shalt  }
0x84: {  	_ =	shalt  }
0x85: {  	_ =	shalt  }
0x86: {  	_ =	shalt  }
0x87: {  	_ =	shalt  }
.Lfunc_end0:
.L_simem_size_0:
called_computation_lowered:
.L_overlay_start_0:
0x88: {  	s2 =	sld [smem:$0x3FD9]  }
0x89: {  	s3 =	sld [smem:$0x3FFE];
	_ =	sdelay $0x1  }
0x8a: {  	s1 =	srdreg.scid  }
0x8b: {  	s0 =	sand.u32 $0x1, s1  }
0x8c: {  	s17 =	sshll.u32 s0, $0xA;
	s2 =	sadd.s32 s3, s2  }
0x8d: {  	s2 =	sadd.s32 s2, s17  }
0x8e: {  	[smem:$0x3FAF] =	sst s2  }
0x8f: {  	_ = 	snop  }
0x90: {  	s2 =	sld [smem:$0x3FC9]  }
0x91: {  	s18 =	sld [smem:$0x3FC7]  }
0x92: {  	s4 =	sld [smem:$0x3FD0];
	(tm) =	ssettm $0x1  }
0x93: {  	s5 =	sld [smem:$0x3FFB];
	_ =	sdelay $0x3  }
0x94: {  	_ =	strace s5  }
0x95: {  	s5 =	sld [smem:$0x3FFC];
	_ =	sdelay $0x3  }
0x96: {  	_ =	strace s5  }
0x97: {  	s5 =	sld [smem:$0x3FFD];
	_ =	sdelay $0x3  }
0x98: {  	_ =	strace s5  }
0x99: {  	_ =	strace $0x8FFFFFFF  }
0x9a: {  	s19 =	sld [smem:$0x3FDB];
	_ =	sdelay $0x1  }
0x9b: {  	s6 =	simm.s32 $_scs_section_size  }
0x9c: {  	s7 =	simm.s32 $_size__tile_overlayer_lowered;
	s8 =	simm.s32 $_tile_overlayer_lowered  }
0x9d: {  	s22 =	simm.s32 $0x1BFF;
	s21 =	sshll.u32 s8, $0x1;
	s5 =	sadd.s32 s6, s19  }
0x9e: {  	s9 =	simm.s32 $0x0;
	s20 =	sshll.u32 s7, $0x1;
	s7 =	sadd.s32 s21, s5  }
0x9f: {  	[timem:s9], [sflag:s22] =	dma.local [hbm:s7], s20  }
0xa0: {  	_ =	swait.ge [sflag:s22], s20  }
0xa1: {  	s6 =	ssub.s32 $0x0, s20;
	[sflag:s22] =	ssyncset.done $0x0  }
0xa2: {  	[sflag:s22] =	ssyncadd.s32 s6;
	_ =	sdelay $0x1  }
0xa3: {  	s23 =	simm.s32 $0x1B8B  }
0xa4: {  	_ =	swait.ge [sflag:s23], $0x1  }
0xa5: {  	[sflag:s23] =	ssyncset.done $0x0  }
0xa6: {  	s25 =	simm.s32 $0x1B8E;
	s24 =	sld [smem:$0x3FFE];
	[sflag:s23] =	ssyncadd.s32 $0xFFFFFFFF  }
0xa7: {  	s26 =	simm.s32 $execute0_lowered;
	[smem:$0x3FD2] =	sst s25  }
0xa8: {  	s7 =	sshll.u32 s26, $0x1;
	_ =	strace $0x80000046;
	[dreg:$0x1] =	wrdreg $0xFFFFFFFF  }
0xa9: {  	s28 =	simm.s32 $_size_execute0_lowered;
	s5 =	sadd.s32 s5, s7;
	[dreg:$0x0] =	wrdreg $0x0  }
0xaa: {  	s7 =	sshll.u32 s28, $0x1;
	[dreg:$0x2] =	wrdreg s5  }
0xab: {  	[dreg:$0x3] =	wrdreg s7  }
0xac: {  	[dreg:$0x4] =	wrdreg $0xC0  }
0xad: {  	_ =	task [dreg:s9], $0x5FFFF  }
0xae: {  	[dreg:$0x1] =	wrdreg $0xFFFFFFFF  }
0xaf: {  	[dreg:$0x0] =	wrdreg $0x60  }
0xb0: {  	[dreg:$0x2] =	wrdreg s2  }
0xb1: {  	[dreg:$0x3] =	wrdreg s18  }
0xb2: {  	[dreg:$0x4] =	wrdreg s4  }
0xb3: {  	[dreg:$0x5] =	wrdreg s24  }
0xb4: {  	[dreg:$0x6] =	wrdreg $0x0  }
0xb5: {  	[dreg:$0x7] =	wrdreg $0x9  }
0xb6: {  	_ =	task.clear_ibuf [dreg:s9], $0x8FFFF;
	_ =	strace $0x90000046  }
0xb7: {  	s29 =	simm.s32 $0x9;
	_ =	strace $0x80000048  }
0xb8: {  	_ =	swait.ge [sflag:s29], $0x1  }
0xb9: {  	[sflag:s29] =	ssyncadd.s32 $0xFFFFFFFF  }
0xba: {  	_ =	strace $0x90000048  }
0xbb: {  	_ =	sfence  }
0xbc: {  	s30 =	sld [smem:$0x0];
	_ =	sdelay $0x2  }
0xbd: {  	s31 =	sshll.u32 s1, $0xD;
	s1 =	sshrl.u32 s1, $0x2  }
0xbe: {  	s3 =	sand.u32 $0x4000, s31;
	s1 =	sadd.s32 s1, s30  }
0xbf: {  	s0 =	sor.u32 s3, s0;
	s1 =	sshll.u32 s1, $0x11  }
0xc0: {  	s0 =	sor.u32 s1, s0  }
0xc1: {  	s0 =	sadd.s32 $0x8F2B, s0  }
0xc2: {  	[sflag:s0] =	ssyncadd.remote.s32 $0x1  }
0xc3: {  	_ =	sfence.sel $0xFFFF  }
0xc4: {  	[dreg:$0x0] =	wrdreg $0xFFFFFFFF;
	(pc) =	sbr.abs _section_cstart, $3  }
0xc5: {  	[dreg:$0x1] =	wrdreg $0xFFFFFFFF  }
0xc6: {  	_ =	task.clear_ibuf [dreg:s9], $0x2FFFF;
	_ =	strace $0x9FFFFFFF  }
0xc7: {  	(tm) =	ssettm $0x7FFFFFFF  }
tec
execute0_lowered:
.L_overlay_start_1:
0x0: {  	(tag) =	ssettag $0x1  }
0x1: {  	s1 =	rddreg [dreg:$0x0]  }
0x2: {  	s2 =	rddreg [dreg:$0x1]  }
0x3: {  	s0 =	rddreg [dreg:$0x2]  }
0x4: {  	s3 =	rddreg [dreg:$0x3]  }
0x5: {  	s4 =	rddreg [dreg:$0x4]  }
0x6: {  	s5 =	srdreg.scid;
	s10 =	stileid.u32;
	s7 =	simm.s32 $0x0  }
0x7: {  	s5 =	sand.u32 $0x1, s5;
	s6 =	smul.u32 $0x14000, s10;
	[smem:$0x7FF] =	sst s7  }
0x8: {  	s22 =	smul.u32 $0x140000, s5;
	s9 =	sshll.u32 s5, $0x4;
	s5 =	ssub.s32 $0x2, s5  }
0x9: {  	s24 =	smul.u32 $0x50000, s10;
	s23 =	sor.u32 s10, s9;
	s26 =	sshrl.u32 s5, $0x1  }
0xa: {  	s8 =	sadd.s32 $0x2000, s3;
	s12 =	smul.u32 $0x500, s23;
	s5 =	ssub.s32 s5, s26  }
0xb: {  	_ =	strace $0x80000047;
	s6 =	sadd.s32 s6, s22;
	s20 =	smax.u32 s5, $0x1  }
0xc: {  	s6 =	sshrl.u32 s6, $0x3;
	s14 =	sadd.s32 s0, s12;
	[dreg:$0xe] =	wrdreg s20  }
0xd: {  	s11 =	sadd.s32 s6, s3;
	s15 =	sadd.s32 s8, s12;
	[dreg:$0x6] =	wrdreg s14  }
0xe: {  	s9 =	sshrl.u32 s24, $0x2;
	[dreg:$0x7] =	wrdreg s15;
	s18 =	sadd.s32 $0xC000, s11  }
0xf: {  	s6 =	sadd.s32 s9, s4;
	s19 =	sadd.s32 $0x5C000, s11;
	[dreg:$0xa] =	wrdreg s18  }
0x10: {  	s21 =	sadd.s32 $0x1000, s6;
	[dreg:$0xd] =	wrdreg s19  }
0x11: {  	s25 =	smul.u32 $0x2800, s23;
	s22 =	sadd.s32 $0x1800, s6;
	[dreg:$0xf] =	wrdreg s21  }
0x12: {  	s16 =	sshll.u32 s23, $0x7;
	s23 =	sadd.s32 $0x2000, s6;
	[dreg:$0x10] =	wrdreg s22  }
0x13: {  	s24 =	sadd.s32 $0x2800, s6;
	[dreg:$0x11] =	wrdreg s23  }
0x14: {  	s13 =	sshrl.u32 s25, $0x3;
	s25 =	sadd.s32 $0x3000, s6;
	[dreg:$0x12] =	wrdreg s24  }
0x15: {  	s26 =	sadd.s32 $0x3800, s6;
	[dreg:$0x13] =	wrdreg s25  }
0x16: {  	s5 =	sadd.s32 $0x4800, s6;
	[dreg:$0x14] =	wrdreg s26  }
0x17: {  	s7 =	sadd.s32 $0x5000, s6;
	[dreg:$0x16] =	wrdreg s5  }
0x18: {  	s10 =	sadd.s32 $0x6800, s6;
	[dreg:$0x17] =	wrdreg s7  }
0x19: {  	s11 =	sadd.s32 $0x7000, s6;
	[dreg:$0x1a] =	wrdreg s10  }
0x1a: {  	s9 =	sadd.s32 $0x280, s13;
	s13 =	sadd.s32 $0x7800, s6;
	[dreg:$0x1b] =	wrdreg s11  }
0x1b: {  	s14 =	sadd.s32 $0x8000, s6;
	[dreg:$0x1c] =	wrdreg s13  }
0x1c: {  	s29 =	simm.s32 $0x1E800;
	s15 =	sadd.s32 $0x8800, s6;
	[dreg:$0x1d] =	wrdreg s14  }
0x1d: {  	s30 =	simm.s32 $0x3;
	s20 =	sadd.s32 $0xB000, s6;
	[dreg:$0x1e] =	wrdreg s15  }
0x1e: {  	s31 =	simm.s32 $0x14000;
	s0 =	sadd.s32 s0, s9;
	[smem:$0x7F7] =	sst s20  }
0x1f: {  	s12 =	sadd.s32 $0x800, s6;
	s17 =	sadd.s32 s8, s9;
	[dreg:$0x8] =	wrdreg s0  }
0x20: {  	s28 =	sadd.s32 $0x13800, s6;
	s8 =	sadd.s32 $0x5800, s6;
	[dreg:$0x9] =	wrdreg s17  }
0x21: {  	s9 =	sadd.s32 $0x6000, s6;
	s18 =	sadd.s32 $0xA000, s6;
	[dreg:$0x18] =	wrdreg s8  }
0x22: {  	s19 =	sadd.s32 $0xA800, s6;
	s21 =	sadd.s32 $0xB800, s6;
	[dreg:$0x19] =	wrdreg s9  }
0x23: {  	s22 =	sadd.s32 $0xC000, s6;
	s23 =	sadd.s32 $0xC800, s6;
	[smem:$0x7F5] =	sst s18  }
0x24: {  	s24 =	sadd.s32 $0xD000, s6;
	s25 =	sadd.s32 $0xD800, s6;
	[smem:$0x7F6] =	sst s19  }
0x25: {  	s26 =	sadd.s32 $0xE000, s6;
	s20 =	sadd.s32 $0x10000, s6;
	[smem:$0x7F8] =	sst s21  }
0x26: {  	s5 =	simm.s32 $0x80;
	s7 =	simm.s32 $0x16800;
	[smem:$0x7F9] =	sst s22  }
0x27: {  	s10 =	simm.s32 $0x2;
	s11 =	simm.s32 $0x0;
	[smem:$0x7FA] =	sst s23  }
0x28: {  	s0 =	sadd.s32 s3, s16;
	s3 =	sadd.s32 $0x4000, s6;
	[smem:$0x7FB] =	sst s24  }
0x29: {  	s16 =	sadd.s32 $0x9000, s6;
	s17 =	sadd.s32 $0x9800, s6;
	[smem:$0x7FC] =	sst s25  }
0x2a: {  	[smem:$0x7FD] =	sst s26;
	s18 =	sadd.s32 $0xF000, s6;
	s19 =	sadd.s32 $0xF800, s6  }
0x2b: {  	s21 =	sadd.s32 $0x10800, s6;
	s22 =	sadd.s32 $0x11000, s6;
	s23 =	sadd.s32 $0x11800, s6  }
0x2c: {  	s24 =	sadd.s32 $0x12000, s6;
	s25 =	sadd.s32 $0x12800, s6;
	[dreg:$0xb] =	wrdreg s0  }
0x2d: {  	s26 =	sadd.s32 $0x13000, s6;
	s8 =	simm.s32 $0x1A800;
	[dreg:$0x15] =	wrdreg s3  }
0x2e: {  	s9 =	simm.s32 $0x1;
	s0 =	sadd.s32 $0x1000, s0;
	[dreg:$0x1f] =	wrdreg s16  }
0x2f: {  	[smem:$0x7F4] =	sst s17;
	s17 =	sadd.s32 $0xE800, s6;
	s3 =	simm.s32 $0x15400  }
0x30: {  	v0 =	vimm.f32 $0.0e+00;
	s16 =	simm.s32 $0x16700;
	[dreg:$0xc] =	wrdreg s0;
	s0 =	simm.s32 $0x4  }
.LBB2_1:
0x31: {  	s13 =	simm.s32 $0x0;
	s14 =	simm.s32 $0x200  }
.LBB2_2:
0x32: {  	p0 =	sne.s32 s14, $0x1E00;
	[tilespmem:s13+$0x1E870] =	vst v0  }
0x33: {  	[tilespmem:s13+$0x1E800] =	vst v0  }
0x34: {  	[tilespmem:s13+$0x1E810] =	vst v0  }
.Ltmp0:
0x35: {  	[tilespmem:s13+$0x1E820] =	vst v0;
	(pc) =	sbr.rel @p0 .LBB2_2-.Ltmp0, $4  }
0x36: {  	[tilespmem:s13+$0x1E830] =	vst v0  }
0x37: {  	[tilespmem:s13+$0x1E840] =	vst v0  }
0x38: {  	[tilespmem:s13+$0x1E850] =	vst v0  }
0x39: {  	[tilespmem:s13+$0x1E860] =	vst v0;
	s13 =	sshra.s32 s14, $0x2;
	s14 =	sadd.s32 $0x200, s14  }
0x3a: {  	[tilespmem:s13+$0x1E870] =	vst v0  }
0x3b: {  	[tilespmem:s13+$0x1E800] =	vst v0  }
0x3c: {  	[tilespmem:s13+$0x1E810] =	vst v0  }
0x3d: {  	[tilespmem:s13+$0x1E820] =	vst v0  }
0x3e: {  	[tilespmem:s13+$0x1E830] =	vst v0  }
0x3f: {  	[tilespmem:s13+$0x1E840] =	vst v0  }
0x40: {  	[tilespmem:s13+$0x1E850] =	vst v0  }
0x41: {  	[tilespmem:s13+$0x1E860] =	vst v0  }
0x42: {  	[spmem:s6] =	stream.linear.scatter [tilespmem:s29], [sflag:$0x3], $0x800, $0x38;
	[tilespmem:$0x1F000] =	vst v63  }
0x43: {  	s15 =	rddreg [dreg:$0xf]  }
0x44: {  	[spmem:s12] =	stream.linear.scatter [tilespmem:s29], [sflag:$0x3], $0x800, $0x38;
	[tilespmem:$0x1F000] =	vst v63  }
0x45: {  	s14 =	rddreg [dreg:$0x10]  }
0x46: {  	[spmem:s15] =	stream.linear.scatter [tilespmem:s29], [sflag:$0x3], $0x800, $0x38;
	[tilespmem:$0x1F000] =	vst v63  }
0x47: {  	s15 =	rddreg [dreg:$0x11]  }
0x48: {  	[spmem:s14] =	stream.linear.scatter [tilespmem:s29], [sflag:$0x3], $0x800, $0x38;
	[tilespmem:$0x1F000] =	vst v63  }
0x49: {  	s14 =	rddreg [dreg:$0x12]  }
0x4a: {  	[spmem:s15] =	stream.linear.scatter [tilespmem:s29], [sflag:$0x3], $0x800, $0x38;
	[tilespmem:$0x1F000] =	vst v63  }
0x4b: {  	s15 =	rddreg [dreg:$0x13]  }
0x4c: {  	[spmem:s14] =	stream.linear.scatter [tilespmem:s29], [sflag:$0x3], $0x800, $0x38;
	[tilespmem:$0x1F000] =	vst v63  }
0x4d: {  	s14 =	rddreg [dreg:$0x14]  }
0x4e: {  	[spmem:s15] =	stream.linear.scatter [tilespmem:s29], [sflag:$0x3], $0x800, $0x38;
	[tilespmem:$0x1F000] =	vst v63  }
0x4f: {  	s15 =	rddreg [dreg:$0x15]  }
0x50: {  	[spmem:s14] =	stream.linear.scatter [tilespmem:s29], [sflag:$0x3], $0x800, $0x38;
	[tilespmem:$0x1F000] =	vst v63  }
0x51: {  	s14 =	rddreg [dreg:$0x16]  }
0x52: {  	[spmem:s15] =	stream.linear.scatter [tilespmem:s29], [sflag:$0x3], $0x800, $0x38;
	[tilespmem:$0x1F000] =	vst v63  }
0x53: {  	s15 =	rddreg [dreg:$0x17]  }
0x54: {  	[spmem:s14] =	stream.linear.scatter [tilespmem:s29], [sflag:$0x3], $0x800, $0x38;
	[tilespmem:$0x1F000] =	vst v63  }
0x55: {  	s14 =	rddreg [dreg:$0x18]  }
0x56: {  	[spmem:s15] =	stream.linear.scatter [tilespmem:s29], [sflag:$0x3], $0x800, $0x38;
	[tilespmem:$0x1F000] =	vst v63  }
0x57: {  	s15 =	rddreg [dreg:$0x19]  }
0x58: {  	[spmem:s14] =	stream.linear.scatter [tilespmem:s29], [sflag:$0x3], $0x800, $0x38;
	[tilespmem:$0x1F000] =	vst v63  }
0x59: {  	s14 =	rddreg [dreg:$0x1a]  }
0x5a: {  	[spmem:s15] =	stream.linear.scatter [tilespmem:s29], [sflag:$0x3], $0x800, $0x38;
	[tilespmem:$0x1F000] =	vst v63  }
0x5b: {  	s15 =	rddreg [dreg:$0x1b]  }
0x5c: {  	[spmem:s14] =	stream.linear.scatter [tilespmem:s29], [sflag:$0x3], $0x800, $0x38;
	[tilespmem:$0x1F000] =	vst v63  }
0x5d: {  	s14 =	rddreg [dreg:$0x1c]  }
0x5e: {  	[spmem:s15] =	stream.linear.scatter [tilespmem:s29], [sflag:$0x3], $0x800, $0x38;
	[tilespmem:$0x1F000] =	vst v63  }
0x5f: {  	s15 =	rddreg [dreg:$0x1d]  }
0x60: {  	[spmem:s14] =	stream.linear.scatter [tilespmem:s29], [sflag:$0x3], $0x800, $0x38;
	[tilespmem:$0x1F000] =	vst v63  }
0x61: {  	s14 =	rddreg [dreg:$0x1e]  }
0x62: {  	[spmem:s15] =	stream.linear.scatter [tilespmem:s29], [sflag:$0x3], $0x800, $0x38;
	[tilespmem:$0x1F000] =	vst v63  }
0x63: {  	s15 =	rddreg [dreg:$0x1f]  }
0x64: {  	[spmem:s14] =	stream.linear.scatter [tilespmem:s29], [sflag:$0x3], $0x800, $0x38;
	[tilespmem:$0x1F000] =	vst v63  }
0x65: {  	s14 =	sld [smem:$0x7F4]  }
0x66: {  	[spmem:s15] =	stream.linear.scatter [tilespmem:s29], [sflag:$0x3], $0x800, $0x38;
	[tilespmem:$0x1F000] =	vst v63  }
0x67: {  	s15 =	sld [smem:$0x7F5]  }
0x68: {  	[spmem:s14] =	stream.linear.scatter [tilespmem:s29], [sflag:$0x3], $0x800, $0x38;
	[tilespmem:$0x1F000] =	vst v63  }
0x69: {  	s14 =	sld [smem:$0x7F6]  }
0x6a: {  	[spmem:s15] =	stream.linear.scatter [tilespmem:s29], [sflag:$0x3], $0x800, $0x38;
	[tilespmem:$0x1F000] =	vst v63  }
0x6b: {  	s15 =	sld [smem:$0x7F7]  }
0x6c: {  	[spmem:s14] =	stream.linear.scatter [tilespmem:s29], [sflag:$0x3], $0x800, $0x38;
	[tilespmem:$0x1F000] =	vst v63  }
0x6d: {  	s14 =	sld [smem:$0x7F8]  }
0x6e: {  	[spmem:s15] =	stream.linear.scatter [tilespmem:s29], [sflag:$0x3], $0x800, $0x38;
	[tilespmem:$0x1F000] =	vst v63  }
0x6f: {  	s15 =	sld [smem:$0x7F9]  }
0x70: {  	[spmem:s14] =	stream.linear.scatter [tilespmem:s29], [sflag:$0x3], $0x800, $0x38;
	[tilespmem:$0x1F000] =	vst v63  }
0x71: {  	s14 =	sld [smem:$0x7FA]  }
0x72: {  	[spmem:s15] =	stream.linear.scatter [tilespmem:s29], [sflag:$0x3], $0x800, $0x38;
	[tilespmem:$0x1F000] =	vst v63  }
0x73: {  	s15 =	sld [smem:$0x7FB]  }
0x74: {  	[spmem:s14] =	stream.linear.scatter [tilespmem:s29], [sflag:$0x3], $0x800, $0x38;
	[tilespmem:$0x1F000] =	vst v63  }
0x75: {  	s14 =	sld [smem:$0x7FC]  }
0x76: {  	[spmem:s15] =	stream.linear.scatter [tilespmem:s29], [sflag:$0x3], $0x800, $0x38;
	[tilespmem:$0x1F000] =	vst v63  }
0x77: {  	s15 =	sld [smem:$0x7FD]  }
0x78: {  	[spmem:s14] =	stream.linear.scatter [tilespmem:s29], [sflag:$0x3], $0x800, $0x38;
	[tilespmem:$0x1F000] =	vst v63  }
0x79: {  	_ = 	snop  }
0x7a: {  	[spmem:s15] =	stream.linear.scatter [tilespmem:s29], [sflag:$0x3], $0x800, $0x38;
	[tilespmem:$0x1F000] =	vst v63  }
0x7b: {  	_ = 	snop  }
0x7c: {  	[spmem:s17] =	stream.linear.scatter [tilespmem:s29], [sflag:$0x3], $0x800, $0x38;
	[tilespmem:$0x1F000] =	vst v63  }
0x7d: {  	_ = 	snop  }
0x7e: {  	[spmem:s18] =	stream.linear.scatter [tilespmem:s29], [sflag:$0x3], $0x800, $0x38;
	[tilespmem:$0x1F000] =	vst v63  }
0x7f: {  	_ = 	snop  }
0x80: {  	[spmem:s19] =	stream.linear.scatter [tilespmem:s29], [sflag:$0x3], $0x800, $0x38;
	[tilespmem:$0x1F000] =	vst v63  }
0x81: {  	_ = 	snop  }
0x82: {  	[spmem:s20] =	stream.linear.scatter [tilespmem:s29], [sflag:$0x3], $0x800, $0x38;
	[tilespmem:$0x1F000] =	vst v63  }
0x83: {  	_ = 	snop  }
0x84: {  	[spmem:s21] =	stream.linear.scatter [tilespmem:s29], [sflag:$0x3], $0x800, $0x38;
	[tilespmem:$0x1F000] =	vst v63  }
0x85: {  	_ = 	snop  }
0x86: {  	[spmem:s22] =	stream.linear.scatter [tilespmem:s29], [sflag:$0x3], $0x800, $0x38;
	[tilespmem:$0x1F000] =	vst v63  }
0x87: {  	_ = 	snop  }
0x88: {  	[spmem:s23] =	stream.linear.scatter [tilespmem:s29], [sflag:$0x3], $0x800, $0x38;
	[tilespmem:$0x1F000] =	vst v63  }
0x89: {  	_ = 	snop  }
0x8a: {  	[spmem:s24] =	stream.linear.scatter [tilespmem:s29], [sflag:$0x3], $0x800, $0x38;
	[tilespmem:$0x1F000] =	vst v63  }
0x8b: {  	_ = 	snop  }
0x8c: {  	[spmem:s25] =	stream.linear.scatter [tilespmem:s29], [sflag:$0x3], $0x800, $0x38;
	[tilespmem:$0x1F000] =	vst v63  }
0x8d: {  	_ = 	snop  }
0x8e: {  	[spmem:s26] =	stream.linear.scatter [tilespmem:s29], [sflag:$0x3], $0x800, $0x38;
	[tilespmem:$0x1F000] =	vst v63  }
0x8f: {  	_ = 	snop  }
0x90: {  	[spmem:s28] =	stream.linear.scatter [tilespmem:s29], [sflag:$0x3], $0x800, $0x38;
	[tilespmem:$0x1F000] =	vst v63  }
0x91: {  	_ =	swait.ge [sflag:s30], $0x800  }
0x92: {  	s13 =	simm.s32 $0x27;
	[sflag:s30] =	ssyncset.done $0x0  }
.LBB2_4:
0x93: {  	p0 =	sne.s32 s13, $0x1;
	s13 =	sadd.s32 $0xFFFFFFFF, s13;
	[sflag:s30] =	ssyncadd.s32 $0xFFFFF800  }
.Ltmp1:
0x94: {  	(pc) =	sbr.rel @p0 .LBB2_4-.Ltmp1, $3  }
0x95: {  	_ =	sdelay $0x1  }
0x96: {  	_ =	swait.ge [sflag:s30], $0x800  }
0x97: {  	[sflag:s30] =	ssyncset.done $0x0  }
0x98: {  	[sflag:s30] =	ssyncadd.s32 $0xFFFFF800  }
0x99: {  	[bflag:$0x0] =	sbarrier.arrive $0xFFFF  }
0x9a: {  	s13 =	simm.s32 $0x0;
	s14 =	rddreg [dreg:$0x6]  }
0x9b: {  	[tilespmem:s31], [sflag:$0x4] =	stream.linear.gather [hbm4b:s14+s13], $0x1400, $0x38;
	[tilespmem:$0x1F000] =	vst v63  }
0x9c: {  	_ =	swait.ge [sflag:s0], $0x1400  }
0x9d: {  	[sflag:s0] =	ssyncset.done $0x0  }
0x9e: {  	s15 =	rddreg [dreg:$0x7];
	[sflag:s0] =	ssyncadd.s32 $0xFFFFEC00  }
0x9f: {  	[tilespmem:s3], [sflag:$0x4] =	stream.linear.gather [hbm4b:s15+s13], $0x1400, $0x38;
	[tilespmem:$0x1F000] =	vst v63  }
0xa0: {  	_ =	swait.ge [sflag:s0], $0x1400  }
0xa1: {  	[sflag:s0] =	ssyncset.done $0x0  }
0xa2: {  	[sflag:s0] =	ssyncadd.s32 $0xFFFFEC00  }
0xa3: {  	[tilespmem:s7], [sflag:$0x1] =	stream.indirect.gather [hbm4b:s1+s5], $0x80, s31, s5, $0xb8;
	[tilespmem:$0x1F000] =	vst v63  }
0xa4: {  	s14 =	simm.s32 $0x14080  }
0xa5: {  	[tilespmem:s8], [sflag:$0x2] =	stream.indirect.gather [hbm4b:s1+s5], $0x80, s14, s5, $0xb8;
	[tilespmem:$0x1F000] =	vst v63  }
0xa6: {  	_ =	swait.ge [sflag:s9], $0x4000  }
0xa7: {  	[sflag:s9] =	ssyncset.done $0x0  }
0xa8: {  	s15 =	simm.s32 $0x15400;
	[sflag:s9] =	ssyncadd.s32 $0xFFFFC000  }
0xa9: {  	[spmem:s4] =	stream.indirect.scatter.add.f32 [tilespmem:s7], [sflag:$0x4], $0x80, s15, s5, $0xb8;
	[tilespmem:$0x1F000] =	vst v63  }
0xaa: {  	_ =	swait.ge [sflag:s0], $0x4000  }
0xab: {  	[sflag:s0] =	ssyncset.done $0x0  }
0xac: {  	s14 =	simm.s32 $0x14100;
	[sflag:s0] =	ssyncadd.s32 $0xFFFFC000  }
0xad: {  	[tilespmem:s7], [sflag:$0x1] =	stream.indirect.gather [hbm4b:s1+s5], $0x80, s14, s5, $0xb8;
	[tilespmem:$0x1F000] =	vst v63  }
0xae: {  	_ =	swait.ge [sflag:s10], $0x4000  }
0xaf: {  	[sflag:s10] =	ssyncset.done $0x0  }
0xb0: {  	s15 =	simm.s32 $0x15480;
	[sflag:s10] =	ssyncadd.s32 $0xFFFFC000  }
0xb1: {  	[spmem:s4] =	stream.indirect.scatter.add.f32 [tilespmem:s8], [sflag:$0x4], $0x80, s15, s5, $0xb8;
	[tilespmem:$0x1F000] =	vst v63  }
0xb2: {  	_ =	swait.ge [sflag:s0], $0x4000  }
0xb3: {  	[sflag:s0] =	ssyncset.done $0x0  }
0xb4: {  	s13 =	simm.s32 $0x400;
	s14 =	simm.s32 $0x14180;
	[sflag:s0] =	ssyncadd.s32 $0xFFFFC000  }
.LBB2_6:
0xb5: {  	[tilespmem:s8], [sflag:$0x2] =	stream.indirect.gather [hbm4b:s1+s5], $0x80, s14, s5, $0xb8;
	[tilespmem:$0x1F000] =	vst v63  }
0xb6: {  	s14 =	smov.u32 s13  }
0xb7: {  	p0 =	sne.s32 s13, $0x4800;
	s13 =	sadd.s32 $0x400, s13;
	_ =	swait.ge [sflag:s9], $0x4000  }
0xb8: {  	s14 =	sshra.s32 s14, $0x2;
	[sflag:s9] =	ssyncset.done $0x0  }
0xb9: {  	s15 =	sadd.s32 $0x15400, s14;
	[sflag:s9] =	ssyncadd.s32 $0xFFFFC000  }
0xba: {  	[spmem:s4] =	stream.indirect.scatter.add.f32 [tilespmem:s7], [sflag:$0x4], $0x80, s15, s5, $0xb8;
	[tilespmem:$0x1F000] =	vst v63  }
0xbb: {  	_ =	swait.ge [sflag:s0], $0x4000  }
0xbc: {  	[sflag:s0] =	ssyncset.done $0x0  }
0xbd: {  	s15 =	sadd.s32 $0x14100, s14;
	[sflag:s0] =	ssyncadd.s32 $0xFFFFC000  }
0xbe: {  	[tilespmem:s7], [sflag:$0x1] =	stream.indirect.gather [hbm4b:s1+s5], $0x80, s15, s5, $0xb8;
	[tilespmem:$0x1F000] =	vst v63  }
0xbf: {  	_ =	swait.ge [sflag:s10], $0x4000  }
0xc0: {  	[sflag:s10] =	ssyncset.done $0x0  }
.Ltmp2:
0xc1: {  	s15 =	sadd.s32 $0x15480, s14;
	[sflag:s10] =	ssyncadd.s32 $0xFFFFC000;
	(pc) =	sbr.rel @p0 .LBB2_6-.Ltmp2, $4  }
0xc2: {  	[spmem:s4] =	stream.indirect.scatter.add.f32 [tilespmem:s8], [sflag:$0x4], $0x80, s15, s5, $0xb8;
	[tilespmem:$0x1F000] =	vst v63  }
0xc3: {  	_ =	swait.ge [sflag:s0], $0x4000  }
0xc4: {  	[sflag:s0] =	ssyncset.done $0x0  }
0xc5: {  	s14 =	sadd.s32 $0x14180, s14;
	[sflag:s0] =	ssyncadd.s32 $0xFFFFC000  }
0xc6: {  	[tilespmem:s8], [sflag:$0x2] =	stream.indirect.gather [hbm4b:s1+s5], $0x80, s14, s5, $0xb8;
	[tilespmem:$0x1F000] =	vst v63  }
0xc7: {  	_ =	swait.ge [sflag:s9], $0x4000  }
0xc8: {  	[sflag:s9] =	ssyncset.done $0x0  }
0xc9: {  	[sflag:s9] =	ssyncadd.s32 $0xFFFFC000  }
0xca: {  	[spmem:s4] =	stream.indirect.scatter.add.f32 [tilespmem:s7], [sflag:$0x4], $0x80, s16, s5, $0xb8;
	[tilespmem:$0x1F000] =	vst v63  }
0xcb: {  	_ =	swait.ge [sflag:s0], $0x4000  }
0xcc: {  	[sflag:s0] =	ssyncset.done $0x0  }
0xcd: {  	[sflag:s0] =	ssyncadd.s32 $0xFFFFC000  }
0xce: {  	_ =	swait.ge [sflag:s10], $0x4000  }
0xcf: {  	[sflag:s10] =	ssyncset.done $0x0  }
0xd0: {  	s13 =	simm.s32 $0x16780;
	[sflag:s10] =	ssyncadd.s32 $0xFFFFC000  }
0xd1: {  	[spmem:s4] =	stream.indirect.scatter.add.f32 [tilespmem:s8], [sflag:$0x4], $0x80, s13, s5, $0xb8;
	[tilespmem:$0x1F000] =	vst v63  }
0xd2: {  	_ =	swait.ge [sflag:s0], $0x4000  }
0xd3: {  	[sflag:s0] =	ssyncset.done $0x0  }
0xd4: {  	s13 =	simm.s32 $0x0;
	s15 =	rddreg [dreg:$0x8];
	[sflag:s0] =	ssyncadd.s32 $0xFFFFC000  }
0xd5: {  	[tilespmem:s31], [sflag:$0x4] =	stream.linear.gather [hbm4b:s15+s13], $0x1400, $0x38;
	[tilespmem:$0x1F000] =	vst v63  }
0xd6: {  	_ =	swait.ge [sflag:s0], $0x1400  }
0xd7: {  	[sflag:s0] =	ssyncset.done $0x0  }
0xd8: {  	s15 =	rddreg [dreg:$0x9];
	[sflag:s0] =	ssyncadd.s32 $0xFFFFEC00  }
0xd9: {  	[tilespmem:s3], [sflag:$0x4] =	stream.linear.gather [hbm4b:s15+s13], $0x1400, $0x38;
	[tilespmem:$0x1F000] =	vst v63  }
0xda: {  	_ =	swait.ge [sflag:s0], $0x1400  }
0xdb: {  	[sflag:s0] =	ssyncset.done $0x0  }
0xdc: {  	[sflag:s0] =	ssyncadd.s32 $0xFFFFEC00  }
0xdd: {  	[tilespmem:s7], [sflag:$0x1] =	stream.indirect.gather [hbm4b:s1+s5], $0x80, s31, s5, $0xb8;
	[tilespmem:$0x1F000] =	vst v63  }
0xde: {  	s14 =	simm.s32 $0x14080  }
0xdf: {  	[tilespmem:s8], [sflag:$0x2] =	stream.indirect.gather [hbm4b:s1+s5], $0x80, s14, s5, $0xb8;
	[tilespmem:$0x1F000] =	vst v63  }
0xe0: {  	_ =	swait.ge [sflag:s9], $0x4000  }
0xe1: {  	[sflag:s9] =	ssyncset.done $0x0  }
0xe2: {  	s15 =	simm.s32 $0x15400;
	[sflag:s9] =	ssyncadd.s32 $0xFFFFC000  }
0xe3: {  	[spmem:s4] =	stream.indirect.scatter.add.f32 [tilespmem:s7], [sflag:$0x4], $0x80, s15, s5, $0xb8;
	[tilespmem:$0x1F000] =	vst v63  }
0xe4: {  	_ =	swait.ge [sflag:s0], $0x4000  }
0xe5: {  	[sflag:s0] =	ssyncset.done $0x0  }
0xe6: {  	s14 =	simm.s32 $0x14100;
	[sflag:s0] =	ssyncadd.s32 $0xFFFFC000  }
0xe7: {  	[tilespmem:s7], [sflag:$0x1] =	stream.indirect.gather [hbm4b:s1+s5], $0x80, s14, s5, $0xb8;
	[tilespmem:$0x1F000] =	vst v63  }
0xe8: {  	_ =	swait.ge [sflag:s10], $0x4000  }
0xe9: {  	[sflag:s10] =	ssyncset.done $0x0  }
0xea: {  	s15 =	simm.s32 $0x15480;
	[sflag:s10] =	ssyncadd.s32 $0xFFFFC000  }
0xeb: {  	[spmem:s4] =	stream.indirect.scatter.add.f32 [tilespmem:s8], [sflag:$0x4], $0x80, s15, s5, $0xb8;
	[tilespmem:$0x1F000] =	vst v63  }
0xec: {  	_ =	swait.ge [sflag:s0], $0x4000  }
0xed: {  	[sflag:s0] =	ssyncset.done $0x0  }
0xee: {  	s13 =	simm.s32 $0x400;
	s14 =	simm.s32 $0x14180;
	[sflag:s0] =	ssyncadd.s32 $0xFFFFC000  }
.LBB2_8:
0xef: {  	[tilespmem:s8], [sflag:$0x2] =	stream.indirect.gather [hbm4b:s1+s5], $0x80, s14, s5, $0xb8;
	[tilespmem:$0x1F000] =	vst v63  }
0xf0: {  	s14 =	smov.u32 s13  }
0xf1: {  	p0 =	sne.s32 s13, $0x4800;
	s13 =	sadd.s32 $0x400, s13;
	_ =	swait.ge [sflag:s9], $0x4000  }
0xf2: {  	s14 =	sshra.s32 s14, $0x2;
	[sflag:s9] =	ssyncset.done $0x0  }
0xf3: {  	s15 =	sadd.s32 $0x15400, s14;
	[sflag:s9] =	ssyncadd.s32 $0xFFFFC000  }
0xf4: {  	[spmem:s4] =	stream.indirect.scatter.add.f32 [tilespmem:s7], [sflag:$0x4], $0x80, s15, s5, $0xb8;
	[tilespmem:$0x1F000] =	vst v63  }
0xf5: {  	_ =	swait.ge [sflag:s0], $0x4000  }
0xf6: {  	[sflag:s0] =	ssyncset.done $0x0  }
0xf7: {  	s15 =	sadd.s32 $0x14100, s14;
	[sflag:s0] =	ssyncadd.s32 $0xFFFFC000  }
0xf8: {  	[tilespmem:s7], [sflag:$0x1] =	stream.indirect.gather [hbm4b:s1+s5], $0x80, s15, s5, $0xb8;
	[tilespmem:$0x1F000] =	vst v63  }
0xf9: {  	_ =	swait.ge [sflag:s10], $0x4000  }
0xfa: {  	[sflag:s10] =	ssyncset.done $0x0  }
.Ltmp3:
0xfb: {  	s15 =	sadd.s32 $0x15480, s14;
	[sflag:s10] =	ssyncadd.s32 $0xFFFFC000;
	(pc) =	sbr.rel @p0 .LBB2_8-.Ltmp3, $4  }
0xfc: {  	[spmem:s4] =	stream.indirect.scatter.add.f32 [tilespmem:s8], [sflag:$0x4], $0x80, s15, s5, $0xb8;
	[tilespmem:$0x1F000] =	vst v63  }
0xfd: {  	_ =	swait.ge [sflag:s0], $0x4000  }
0xfe: {  	[sflag:s0] =	ssyncset.done $0x0  }
0xff: {  	s14 =	sadd.s32 $0x14180, s14;
	[sflag:s0] =	ssyncadd.s32 $0xFFFFC000  }
0x100: {  	[tilespmem:s8], [sflag:$0x2] =	stream.indirect.gather [hbm4b:s1+s5], $0x80, s14, s5, $0xb8;
	[tilespmem:$0x1F000] =	vst v63  }
0x101: {  	_ =	swait.ge [sflag:s9], $0x4000  }
0x102: {  	[sflag:s9] =	ssyncset.done $0x0  }
0x103: {  	[sflag:s9] =	ssyncadd.s32 $0xFFFFC000  }
0x104: {  	[spmem:s4] =	stream.indirect.scatter.add.f32 [tilespmem:s7], [sflag:$0x4], $0x80, s16, s5, $0xb8;
	[tilespmem:$0x1F000] =	vst v63  }
0x105: {  	_ =	swait.ge [sflag:s0], $0x4000  }
0x106: {  	[sflag:s0] =	ssyncset.done $0x0  }
0x107: {  	[sflag:s0] =	ssyncadd.s32 $0xFFFFC000  }
0x108: {  	_ =	swait.ge [sflag:s10], $0x4000  }
0x109: {  	[sflag:s10] =	ssyncset.done $0x0  }
0x10a: {  	s13 =	simm.s32 $0x16780;
	[sflag:s10] =	ssyncadd.s32 $0xFFFFC000  }
0x10b: {  	[spmem:s4] =	stream.indirect.scatter.add.f32 [tilespmem:s8], [sflag:$0x4], $0x80, s13, s5, $0xb8;
	[tilespmem:$0x1F000] =	vst v63  }
0x10c: {  	_ =	swait.ge [sflag:s0], $0x4000  }
0x10d: {  	[sflag:s0] =	ssyncset.done $0x0  }
0x10e: {  	s14 =	stileid.u32;
	[sflag:s0] =	ssyncadd.s32 $0xFFFFC000  }
0x10f: {  	s13 =	sshll.u32 s14, $0x6;
	[bflag:$0x0] =	sbarrier.arrive $0xFFFF  }
0x110: {  	s14 =	sshrl.u32 s6, $0x3;
	s13 =	sor.u32 $0x1C04, s13;
	s15 =	rddreg [dreg:$0xa]  }
0x111: {  	[hbm:s15], [sflag:s13] =	dma.local [spmem:s14], $0x2800  }
0x112: {  	_ =	swait.ge [sflag:s0], $0x2800  }
0x113: {  	[sflag:s0] =	ssyncset.done $0x0  }
0x114: {  	[sflag:s0] =	ssyncadd.s32 $0xFFFFD800  }
0x115: {  	[spmem:s6] =	stream.linear.scatter [tilespmem:s29], [sflag:$0x3], $0x800, $0x38;
	[tilespmem:$0x1F000] =	vst v63  }
0x116: {  	_ = 	snop  }
0x117: {  	[spmem:s12] =	stream.linear.scatter [tilespmem:s29], [sflag:$0x3], $0x800, $0x38;
	[tilespmem:$0x1F000] =	vst v63  }
0x118: {  	s15 =	rddreg [dreg:$0xf]  }
0x119: {  	[spmem:s15] =	stream.linear.scatter [tilespmem:s29], [sflag:$0x3], $0x800, $0x38;
	[tilespmem:$0x1F000] =	vst v63  }
0x11a: {  	s15 =	rddreg [dreg:$0x10]  }
0x11b: {  	[spmem:s15] =	stream.linear.scatter [tilespmem:s29], [sflag:$0x3], $0x800, $0x38;
	[tilespmem:$0x1F000] =	vst v63  }
0x11c: {  	s15 =	rddreg [dreg:$0x11]  }
0x11d: {  	[spmem:s15] =	stream.linear.scatter [tilespmem:s29], [sflag:$0x3], $0x800, $0x38;
	[tilespmem:$0x1F000] =	vst v63  }
0x11e: {  	s15 =	rddreg [dreg:$0x12]  }
0x11f: {  	[spmem:s15] =	stream.linear.scatter [tilespmem:s29], [sflag:$0x3], $0x800, $0x38;
	[tilespmem:$0x1F000] =	vst v63  }
0x120: {  	s15 =	rddreg [dreg:$0x13]  }
0x121: {  	[spmem:s15] =	stream.linear.scatter [tilespmem:s29], [sflag:$0x3], $0x800, $0x38;
	[tilespmem:$0x1F000] =	vst v63  }
0x122: {  	s15 =	rddreg [dreg:$0x14]  }
0x123: {  	[spmem:s15] =	stream.linear.scatter [tilespmem:s29], [sflag:$0x3], $0x800, $0x38;
	[tilespmem:$0x1F000] =	vst v63  }
0x124: {  	s15 =	rddreg [dreg:$0x15]  }
0x125: {  	[spmem:s15] =	stream.linear.scatter [tilespmem:s29], [sflag:$0x3], $0x800, $0x38;
	[tilespmem:$0x1F000] =	vst v63  }
0x126: {  	s15 =	rddreg [dreg:$0x16]  }
0x127: {  	[spmem:s15] =	stream.linear.scatter [tilespmem:s29], [sflag:$0x3], $0x800, $0x38;
	[tilespmem:$0x1F000] =	vst v63  }
0x128: {  	s15 =	rddreg [dreg:$0x17]  }
0x129: {  	[spmem:s15] =	stream.linear.scatter [tilespmem:s29], [sflag:$0x3], $0x800, $0x38;
	[tilespmem:$0x1F000] =	vst v63  }
0x12a: {  	s15 =	rddreg [dreg:$0x18]  }
0x12b: {  	[spmem:s15] =	stream.linear.scatter [tilespmem:s29], [sflag:$0x3], $0x800, $0x38;
	[tilespmem:$0x1F000] =	vst v63  }
0x12c: {  	s15 =	rddreg [dreg:$0x19]  }
0x12d: {  	[spmem:s15] =	stream.linear.scatter [tilespmem:s29], [sflag:$0x3], $0x800, $0x38;
	[tilespmem:$0x1F000] =	vst v63  }
0x12e: {  	s15 =	rddreg [dreg:$0x1a]  }
0x12f: {  	[spmem:s15] =	stream.linear.scatter [tilespmem:s29], [sflag:$0x3], $0x800, $0x38;
	[tilespmem:$0x1F000] =	vst v63  }
0x130: {  	s15 =	rddreg [dreg:$0x1b]  }
0x131: {  	[spmem:s15] =	stream.linear.scatter [tilespmem:s29], [sflag:$0x3], $0x800, $0x38;
	[tilespmem:$0x1F000] =	vst v63  }
0x132: {  	s15 =	rddreg [dreg:$0x1c]  }
0x133: {  	[spmem:s15] =	stream.linear.scatter [tilespmem:s29], [sflag:$0x3], $0x800, $0x38;
	[tilespmem:$0x1F000] =	vst v63  }
0x134: {  	s15 =	rddreg [dreg:$0x1d]  }
0x135: {  	[spmem:s15] =	stream.linear.scatter [tilespmem:s29], [sflag:$0x3], $0x800, $0x38;
	[tilespmem:$0x1F000] =	vst v63  }
0x136: {  	s15 =	rddreg [dreg:$0x1e]  }
0x137: {  	[spmem:s15] =	stream.linear.scatter [tilespmem:s29], [sflag:$0x3], $0x800, $0x38;
	[tilespmem:$0x1F000] =	vst v63  }
0x138: {  	s15 =	rddreg [dreg:$0x1f]  }
0x139: {  	[spmem:s15] =	stream.linear.scatter [tilespmem:s29], [sflag:$0x3], $0x800, $0x38;
	[tilespmem:$0x1F000] =	vst v63  }
0x13a: {  	s15 =	sld [smem:$0x7F4];
	_ =	sdelay $0x2  }
0x13b: {  	[spmem:s15] =	stream.linear.scatter [tilespmem:s29], [sflag:$0x3], $0x800, $0x38;
	[tilespmem:$0x1F000] =	vst v63  }
0x13c: {  	s15 =	sld [smem:$0x7F5];
	_ =	sdelay $0x2  }
0x13d: {  	[spmem:s15] =	stream.linear.scatter [tilespmem:s29], [sflag:$0x3], $0x800, $0x38;
	[tilespmem:$0x1F000] =	vst v63  }
0x13e: {  	s15 =	sld [smem:$0x7F6];
	_ =	sdelay $0x2  }
0x13f: {  	[spmem:s15] =	stream.linear.scatter [tilespmem:s29], [sflag:$0x3], $0x800, $0x38;
	[tilespmem:$0x1F000] =	vst v63  }
0x140: {  	s15 =	sld [smem:$0x7F7];
	_ =	sdelay $0x2  }
0x141: {  	[spmem:s15] =	stream.linear.scatter [tilespmem:s29], [sflag:$0x3], $0x800, $0x38;
	[tilespmem:$0x1F000] =	vst v63  }
0x142: {  	s15 =	sld [smem:$0x7F8];
	_ =	sdelay $0x2  }
0x143: {  	[spmem:s15] =	stream.linear.scatter [tilespmem:s29], [sflag:$0x3], $0x800, $0x38;
	[tilespmem:$0x1F000] =	vst v63  }
0x144: {  	s15 =	sld [smem:$0x7F9];
	_ =	sdelay $0x2  }
0x145: {  	[spmem:s15] =	stream.linear.scatter [tilespmem:s29], [sflag:$0x3], $0x800, $0x38;
	[tilespmem:$0x1F000] =	vst v63  }
0x146: {  	s15 =	sld [smem:$0x7FA];
	_ =	sdelay $0x2  }
0x147: {  	[spmem:s15] =	stream.linear.scatter [tilespmem:s29], [sflag:$0x3], $0x800, $0x38;
	[tilespmem:$0x1F000] =	vst v63  }
0x148: {  	s15 =	sld [smem:$0x7FB];
	_ =	sdelay $0x2  }
0x149: {  	[spmem:s15] =	stream.linear.scatter [tilespmem:s29], [sflag:$0x3], $0x800, $0x38;
	[tilespmem:$0x1F000] =	vst v63  }
0x14a: {  	s15 =	sld [smem:$0x7FC];
	_ =	sdelay $0x2  }
0x14b: {  	[spmem:s15] =	stream.linear.scatter [tilespmem:s29], [sflag:$0x3], $0x800, $0x38;
	[tilespmem:$0x1F000] =	vst v63  }
0x14c: {  	s15 =	sld [smem:$0x7FD];
	_ =	sdelay $0x2  }
0x14d: {  	[spmem:s15] =	stream.linear.scatter [tilespmem:s29], [sflag:$0x3], $0x800, $0x38;
	[tilespmem:$0x1F000] =	vst v63  }
0x14e: {  	_ = 	snop  }
0x14f: {  	[spmem:s17] =	stream.linear.scatter [tilespmem:s29], [sflag:$0x3], $0x800, $0x38;
	[tilespmem:$0x1F000] =	vst v63  }
0x150: {  	_ = 	snop  }
0x151: {  	[spmem:s18] =	stream.linear.scatter [tilespmem:s29], [sflag:$0x3], $0x800, $0x38;
	[tilespmem:$0x1F000] =	vst v63  }
0x152: {  	_ = 	snop  }
0x153: {  	[spmem:s19] =	stream.linear.scatter [tilespmem:s29], [sflag:$0x3], $0x800, $0x38;
	[tilespmem:$0x1F000] =	vst v63  }
0x154: {  	_ = 	snop  }
0x155: {  	[spmem:s20] =	stream.linear.scatter [tilespmem:s29], [sflag:$0x3], $0x800, $0x38;
	[tilespmem:$0x1F000] =	vst v63  }
0x156: {  	_ = 	snop  }
0x157: {  	[spmem:s21] =	stream.linear.scatter [tilespmem:s29], [sflag:$0x3], $0x800, $0x38;
	[tilespmem:$0x1F000] =	vst v63  }
0x158: {  	_ = 	snop  }
0x159: {  	[spmem:s22] =	stream.linear.scatter [tilespmem:s29], [sflag:$0x3], $0x800, $0x38;
	[tilespmem:$0x1F000] =	vst v63  }
0x15a: {  	_ = 	snop  }
0x15b: {  	[spmem:s23] =	stream.linear.scatter [tilespmem:s29], [sflag:$0x3], $0x800, $0x38;
	[tilespmem:$0x1F000] =	vst v63  }
0x15c: {  	_ = 	snop  }
0x15d: {  	[spmem:s24] =	stream.linear.scatter [tilespmem:s29], [sflag:$0x3], $0x800, $0x38;
	[tilespmem:$0x1F000] =	vst v63  }
0x15e: {  	_ = 	snop  }
0x15f: {  	[spmem:s25] =	stream.linear.scatter [tilespmem:s29], [sflag:$0x3], $0x800, $0x38;
	[tilespmem:$0x1F000] =	vst v63  }
0x160: {  	_ = 	snop  }
0x161: {  	[spmem:s26] =	stream.linear.scatter [tilespmem:s29], [sflag:$0x3], $0x800, $0x38;
	[tilespmem:$0x1F000] =	vst v63  }
0x162: {  	_ = 	snop  }
0x163: {  	[spmem:s28] =	stream.linear.scatter [tilespmem:s29], [sflag:$0x3], $0x800, $0x38;
	[tilespmem:$0x1F000] =	vst v63  }
0x164: {  	_ =	swait.ge [sflag:s30], $0x800  }
0x165: {  	s16 =	smov.u32 s12;
	s15 =	simm.s32 $0x27;
	[sflag:s30] =	ssyncset.done $0x0  }
.LBB2_10:
0x166: {  	p0 =	sne.s32 s15, $0x1;
	s15 =	sadd.s32 $0xFFFFFFFF, s15;
	[sflag:s30] =	ssyncadd.s32 $0xFFFFF800  }
.Ltmp4:
0x167: {  	(pc) =	sbr.rel @p0 .LBB2_10-.Ltmp4, $3  }
0x168: {  	_ =	sdelay $0x1  }
0x169: {  	_ =	swait.ge [sflag:s30], $0x800  }
0x16a: {  	[sflag:s30] =	ssyncset.done $0x0  }
0x16b: {  	[sflag:s30] =	ssyncadd.s32 $0xFFFFF800  }
0x16c: {  	[bflag:$0x0] =	sbarrier.arrive $0xFFFF  }
0x16d: {  	s15 =	simm.s32 $0x0;
	s12 =	rddreg [dreg:$0xb]  }
0x16e: {  	[tilespmem:s31], [sflag:$0x4] =	stream.linear.gather [hbm4b:s12+s15], $0x400, $0x38;
	[tilespmem:$0x1F000] =	vst v63  }
0x16f: {  	_ =	swait.ge [sflag:s0], $0x400  }
0x170: {  	[sflag:s0] =	ssyncset.done $0x0  }
0x171: {  	s12 =	rddreg [dreg:$0xc];
	[sflag:s0] =	ssyncadd.s32 $0xFFFFFC00  }
0x172: {  	[tilespmem:s3], [sflag:$0x4] =	stream.linear.gather [hbm4b:s12+s15], $0x400, $0x38;
	[tilespmem:$0x1F000] =	vst v63  }
0x173: {  	_ =	swait.ge [sflag:s0], $0x400  }
0x174: {  	[sflag:s0] =	ssyncset.done $0x0  }
0x175: {  	[sflag:s0] =	ssyncadd.s32 $0xFFFFFC00  }
0x176: {  	[tilespmem:s7], [sflag:$0x1] =	stream.indirect.gather [hbm4b:s2+s5], $0x80, s31, s5, $0xb8;
	[tilespmem:$0x1F000] =	vst v63  }
0x177: {  	s15 =	simm.s32 $0x14080  }
0x178: {  	[tilespmem:s8], [sflag:$0x2] =	stream.indirect.gather [hbm4b:s2+s5], $0x80, s15, s5, $0xb8;
	[tilespmem:$0x1F000] =	vst v63  }
0x179: {  	_ =	swait.ge [sflag:s9], $0x4000  }
0x17a: {  	[sflag:s9] =	ssyncset.done $0x0  }
0x17b: {  	[sflag:s9] =	ssyncadd.s32 $0xFFFFC000  }
0x17c: {  	[spmem:s4] =	stream.indirect.scatter.add.f32 [tilespmem:s7], [sflag:$0x4], $0x80, s3, s5, $0xb8;
	[tilespmem:$0x1F000] =	vst v63  }
0x17d: {  	_ =	swait.ge [sflag:s0], $0x4000  }
0x17e: {  	[sflag:s0] =	ssyncset.done $0x0  }
0x17f: {  	s15 =	simm.s32 $0x14100;
	[sflag:s0] =	ssyncadd.s32 $0xFFFFC000  }
0x180: {  	[tilespmem:s7], [sflag:$0x1] =	stream.indirect.gather [hbm4b:s2+s5], $0x80, s15, s5, $0xb8;
	[tilespmem:$0x1F000] =	vst v63  }
0x181: {  	_ =	swait.ge [sflag:s10], $0x4000  }
0x182: {  	[sflag:s10] =	ssyncset.done $0x0  }
0x183: {  	s15 =	simm.s32 $0x15480;
	[sflag:s10] =	ssyncadd.s32 $0xFFFFC000  }
0x184: {  	[spmem:s4] =	stream.indirect.scatter.add.f32 [tilespmem:s8], [sflag:$0x4], $0x80, s15, s5, $0xb8;
	[tilespmem:$0x1F000] =	vst v63  }
0x185: {  	_ =	swait.ge [sflag:s0], $0x4000  }
0x186: {  	[sflag:s0] =	ssyncset.done $0x0  }
0x187: {  	s15 =	simm.s32 $0x14180;
	[sflag:s0] =	ssyncadd.s32 $0xFFFFC000  }
0x188: {  	[tilespmem:s8], [sflag:$0x2] =	stream.indirect.gather [hbm4b:s2+s5], $0x80, s15, s5, $0xb8;
	[tilespmem:$0x1F000] =	vst v63  }
0x189: {  	_ =	swait.ge [sflag:s9], $0x4000  }
0x18a: {  	[sflag:s9] =	ssyncset.done $0x0  }
0x18b: {  	s15 =	simm.s32 $0x15500;
	[sflag:s9] =	ssyncadd.s32 $0xFFFFC000  }
0x18c: {  	[spmem:s4] =	stream.indirect.scatter.add.f32 [tilespmem:s7], [sflag:$0x4], $0x80, s15, s5, $0xb8;
	[tilespmem:$0x1F000] =	vst v63  }
0x18d: {  	_ =	swait.ge [sflag:s0], $0x4000  }
0x18e: {  	[sflag:s0] =	ssyncset.done $0x0  }
0x18f: {  	s15 =	simm.s32 $0x14200;
	[sflag:s0] =	ssyncadd.s32 $0xFFFFC000  }
0x190: {  	[tilespmem:s7], [sflag:$0x1] =	stream.indirect.gather [hbm4b:s2+s5], $0x80, s15, s5, $0xb8;
	[tilespmem:$0x1F000] =	vst v63  }
0x191: {  	_ =	swait.ge [sflag:s10], $0x4000  }
0x192: {  	[sflag:s10] =	ssyncset.done $0x0  }
0x193: {  	s15 =	simm.s32 $0x15580;
	[sflag:s10] =	ssyncadd.s32 $0xFFFFC000  }
0x194: {  	[spmem:s4] =	stream.indirect.scatter.add.f32 [tilespmem:s8], [sflag:$0x4], $0x80, s15, s5, $0xb8;
	[tilespmem:$0x1F000] =	vst v63  }
0x195: {  	_ =	swait.ge [sflag:s0], $0x4000  }
0x196: {  	[sflag:s0] =	ssyncset.done $0x0  }
0x197: {  	s15 =	simm.s32 $0x14280;
	[sflag:s0] =	ssyncadd.s32 $0xFFFFC000  }
0x198: {  	[tilespmem:s8], [sflag:$0x2] =	stream.indirect.gather [hbm4b:s2+s5], $0x80, s15, s5, $0xb8;
	[tilespmem:$0x1F000] =	vst v63  }
0x199: {  	_ =	swait.ge [sflag:s9], $0x4000  }
0x19a: {  	[sflag:s9] =	ssyncset.done $0x0  }
0x19b: {  	s15 =	simm.s32 $0x15600;
	[sflag:s9] =	ssyncadd.s32 $0xFFFFC000  }
0x19c: {  	[spmem:s4] =	stream.indirect.scatter.add.f32 [tilespmem:s7], [sflag:$0x4], $0x80, s15, s5, $0xb8;
	[tilespmem:$0x1F000] =	vst v63  }
0x19d: {  	_ =	swait.ge [sflag:s0], $0x4000  }
0x19e: {  	[sflag:s0] =	ssyncset.done $0x0  }
0x19f: {  	s15 =	simm.s32 $0x14300;
	[sflag:s0] =	ssyncadd.s32 $0xFFFFC000  }
0x1a0: {  	[tilespmem:s7], [sflag:$0x1] =	stream.indirect.gather [hbm4b:s2+s5], $0x80, s15, s5, $0xb8;
	[tilespmem:$0x1F000] =	vst v63  }
0x1a1: {  	_ =	swait.ge [sflag:s10], $0x4000  }
0x1a2: {  	[sflag:s10] =	ssyncset.done $0x0  }
0x1a3: {  	s15 =	simm.s32 $0x15680;
	[sflag:s10] =	ssyncadd.s32 $0xFFFFC000  }
0x1a4: {  	[spmem:s4] =	stream.indirect.scatter.add.f32 [tilespmem:s8], [sflag:$0x4], $0x80, s15, s5, $0xb8;
	[tilespmem:$0x1F000] =	vst v63  }
0x1a5: {  	_ =	swait.ge [sflag:s0], $0x4000  }
0x1a6: {  	[sflag:s0] =	ssyncset.done $0x0  }
0x1a7: {  	s15 =	simm.s32 $0x14380;
	[sflag:s0] =	ssyncadd.s32 $0xFFFFC000  }
0x1a8: {  	[tilespmem:s8], [sflag:$0x2] =	stream.indirect.gather [hbm4b:s2+s5], $0x80, s15, s5, $0xb8;
	[tilespmem:$0x1F000] =	vst v63  }
0x1a9: {  	_ =	swait.ge [sflag:s9], $0x4000  }
0x1aa: {  	[sflag:s9] =	ssyncset.done $0x0  }
0x1ab: {  	s15 =	simm.s32 $0x15700;
	[sflag:s9] =	ssyncadd.s32 $0xFFFFC000  }
0x1ac: {  	[spmem:s4] =	stream.indirect.scatter.add.f32 [tilespmem:s7], [sflag:$0x4], $0x80, s15, s5, $0xb8;
	[tilespmem:$0x1F000] =	vst v63  }
0x1ad: {  	_ =	swait.ge [sflag:s0], $0x4000  }
0x1ae: {  	[sflag:s0] =	ssyncset.done $0x0  }
0x1af: {  	[sflag:s0] =	ssyncadd.s32 $0xFFFFC000  }
0x1b0: {  	_ =	swait.ge [sflag:s10], $0x4000  }
0x1b1: {  	[sflag:s10] =	ssyncset.done $0x0  }
0x1b2: {  	s15 =	simm.s32 $0x15780;
	[sflag:s10] =	ssyncadd.s32 $0xFFFFC000  }
0x1b3: {  	[spmem:s4] =	stream.indirect.scatter.add.f32 [tilespmem:s8], [sflag:$0x4], $0x80, s15, s5, $0xb8;
	[tilespmem:$0x1F000] =	vst v63  }
0x1b4: {  	_ =	swait.ge [sflag:s0], $0x4000  }
0x1b5: {  	[sflag:s0] =	ssyncset.done $0x0  }
0x1b6: {  	[sflag:s0] =	ssyncadd.s32 $0xFFFFC000  }
0x1b7: {  	[bflag:$0x0] =	sbarrier.arrive $0xFFFF  }
0x1b8: {  	s15 =	rddreg [dreg:$0xd]  }
0x1b9: {  	[hbm:s15], [sflag:s13] =	dma.local [spmem:s14], $0x2800  }
0x1ba: {  	_ =	swait.ge [sflag:s0], $0x2800  }
0x1bb: {  	s11 =	sadd.s32 $0x1, s11;
	s15 =	rddreg [dreg:$0xe]  }
0x1bc: {  	p0 =	sne.s32 s11, s15  }
.Ltmp5:
0x1bd: {  	_ = 	snop;
	(pc) =	sbr.rel @p0 .LBB2_1-.Ltmp5, $3  }
0x1be: {  	_ =	sdelay $0x1  }
0x1bf: {  	[sflag:s0] =	ssyncset.done $0x0  }
0x1c0: {  	s12 =	smov.u32 s16;
	s16 =	simm.s32 $0x16700;
	[sflag:s0] =	ssyncadd.s32 $0xFFFFD800  }
0x1c1: {  	_ =	sfence.sel $0x180000  }
0x1c2: {  	[bflag:$0x0] =	sbarrier.arrive $0xFFFF  }
0x1c3: {  	_ =	strace $0x90000047  }
0x1c4: {  	s0 =	stileid.u32;
	[bflag:$0x2] =	sbarrier.arrive $0xFFFF  }
0x1c5: {  	p0 =	sne.s32 s0, $0x0;
	s0 =	rddreg [dreg:$0x5]  }
0x1c6: {  	s0 =	sadd.s32 @!p0 $0x100000, s0  }
0x1c7: {  	[sflag:s0] =	ssyncadd.tile.s32 @!p0 $0x1;
	_ =	shalt  }
.Lfunc_end2:
_tile_overlayer_lowered:
.L_overlay_start_2:
0x1c8: {  	(tag) =	ssettag $0x2  }
0x1c9: {  	s0 =	rddreg [dreg:$0x0];
	s2 =	stileid.u32  }
0x1ca: {  	s1 =	rddreg [dreg:$0x1];
	p0 =	sne.s32 s2, $0x0  }
0x1cb: {  	s3 =	rddreg [dreg:$0x2];
	[bflag:$0x3] =	sbarrier.arrive $0xFFFF;
	s2 =	simm.s32 @!p0 $0x1C04  }
0x1cc: {  	[timem:s3], [sflag:s2] =	dma.local @!p0 [hbm:s0], s1  }
0x1cd: {  	s0 =	simm.s32 @!p0 $0x4  }
0x1ce: {  	_ =	swait.ge @!p0 [sflag:s0], s1  }
0x1cf: {  	s1 =	ssub.s32 @!p0 $0x0, s1;
	[sflag:s0] =	ssyncset.done @!p0 $0x0  }
0x1d0: {  	[sflag:s0] =	ssyncadd.s32 @!p0 s1  }
0x1d1: {  	[bflag:$0x3] =	sbarrier.arrive $0xFFFF  }
0x1d2: {  	_ =	shalt  }

</sc_bundles>
